<compile_context>
chip_gen: v7x
topology: tpu7x:2x2x1
jax: 0.10.2.dev20260603
libtpu: 0.0.44.dev20260713+nightly
codegen_flags: <defaults>
</compile_context>

<pallas_src>
import functools

import jax
import jax.numpy as jnp
from jax import lax
from jax.experimental import pallas as pl
from jax.experimental.pallas import tpu as pltpu
from jax.experimental.pallas import tpu_sc as plsc

_info = plsc.get_sparse_core_info()
_NC, _NS, _L = _info.num_cores, _info.num_subcores, _info.num_lanes
_NW = _NC * _NS

_BATCH = 16384
_BPW = _BATCH // _NW
_CHUNK = 128
_NCHUNK = _BPW // _CHUNK


@functools.partial(
    pl.kernel,
    out_type=jax.ShapeDtypeStruct((_NW, _NCHUNK, _CHUNK), jnp.float32),
    mesh=plsc.VectorSubcoreMesh(core_axis_name="c", subcore_axis_name="s"),
    scratch_types=[
        pltpu.VMEM((_NCHUNK, _CHUNK), jnp.int32),
        pltpu.VMEM((_NCHUNK, _CHUNK), jnp.int32),
        pltpu.VMEM((_NCHUNK, _CHUNK), jnp.int32),
        pltpu.VMEM((_NCHUNK, _CHUNK), jnp.float32),
        pltpu.VMEM((_NCHUNK, _CHUNK), jnp.float32),
        pltpu.VMEM((_L,), jnp.float32),
        pltpu.VMEM((_NCHUNK, _CHUNK), jnp.float32),
        pltpu.SemaphoreType.DMA,
        pltpu.SemaphoreType.DMA,
        [pltpu.SemaphoreType.DMA] * _NCHUNK,
        pltpu.SemaphoreType.DMA,
    ],
)
def _sc_body(uid_hbm, iid_hbm, r_hbm, u_hbm, i_hbm, z_hbm, out_hbm,
             uid_v, iid_v, r_v, uv, iv, z_v, ov, sem_ld, sem_ld2, sems, sem_st):
    wid = lax.axis_index("s") * _NC + lax.axis_index("c")

    idx_loads = [
        pltpu.async_copy(uid_hbm.at[wid], uid_v, sem_ld),
        pltpu.async_copy(iid_hbm.at[wid], iid_v, sem_ld),
    ]
    rz_loads = [
        pltpu.async_copy(r_hbm.at[wid], r_v, sem_ld2),
        pltpu.async_copy(z_hbm, z_v, sem_ld2),
    ]
    for cp in idx_loads:
        cp.wait()

    gathers = []
    for j in range(_NCHUNK):
        gathers.append((
            pltpu.async_copy(u_hbm.at[uid_v.at[j]], uv.at[j], sems[j]),
            pltpu.async_copy(i_hbm.at[iid_v.at[j]], iv.at[j], sems[j]),
        ))

    for cp in rz_loads:
        cp.wait()
    zvec = z_v[...]
    stores = []
    for j in range(_NCHUNK):
        for cp in gathers[j]:
            cp.wait()
        for c in range(_CHUNK // _L):
            sl = pl.ds(c * _L, _L)
            zr = zvec.at[r_v[j, sl]].get(mode="promise_in_bounds")
            ov[j, sl] = jnp.exp(uv[j, sl] + iv[j, sl] + zr)
        stores.append(pltpu.async_copy(ov.at[j], out_hbm.at[wid, j], sem_st))
    for cp in stores:
        cp.wait()


@jax.jit
def kernel(uid, iid, r, u, i, z):
    uid3 = uid.astype(jnp.int32).reshape(_NW, _NCHUNK, _CHUNK)
    iid3 = iid.astype(jnp.int32).reshape(_NW, _NCHUNK, _CHUNK)
    r3 = r.astype(jnp.int32).reshape(_NW, _NCHUNK, _CHUNK)
    z16 = jnp.zeros((_L,), jnp.float32).at[: z.shape[0]].set(z)
    out = _sc_body(uid3, iid3, r3, u, i, z16)
    return out.reshape(-1)

# --- scband reference (transcript-rebuilt; emitter-appended) ---
"""Pipeline reference for scband-zw2-69492570849394 (READ-ONLY COPY).

The authoritative reference and input builder live on the scoring server;
editing this copy changes nothing except your own understanding.
"""

import jax, jax.numpy as jnp
import numpy as np

N_USER = 1000000
N_ITEM = 1000000
BATCH = 16384


def setup_inputs(seed: int = 0) -> dict:
    key = jax.random.key(seed)
    k1, k2, k3 = jax.random.split(key, 3)
    uid = jax.random.randint(k1, (BATCH,), 0, N_USER, dtype=jnp.int64 if jax.config.jax_enable_x64 else jnp.int32)
    iid = jax.random.randint(k2, (BATCH,), 0, N_ITEM, dtype=jnp.int64 if jax.config.jax_enable_x64 else jnp.int32)
    r = jax.random.randint(k3, (BATCH,), 0, 3, dtype=jnp.int64 if jax.config.jax_enable_x64 else jnp.int32)
    # learned parameters, matching torch init: zeros for u and i, fixed vector for z
    u = jnp.zeros((N_USER,), dtype=jnp.float32)
    i = jnp.zeros((N_ITEM,), dtype=jnp.float32)
    z = jnp.array([1.0, 0.1, 0.1], dtype=jnp.float32)
    return {"uid": uid, "iid": iid, "r": r, "u": u, "i": i, "z": z}


def reference(uid, iid, r, u, i, z):
    # z = u[uid] + i[iid] + z[r]; return exp(z)
    out = jnp.take(u, uid, axis=0).reshape(-1) + jnp.take(i, iid, axis=0).reshape(-1) + jnp.take(z, r, axis=0).reshape(-1)
    return jnp.exp(out).reshape(-1)

if __name__ == "__main__":
    import jax
    _d = setup_inputs()
    print(jax.jit(kernel)(*tuple(_d.values())))

</pallas_src>

<mosaic_0001>
#map = affine_map<(d0, d1) -> (0, 0, 0)>
#map1 = affine_map<(d0, d1) -> (0)>
module attributes {stable_mosaic.version = 14 : i64} {
  func.func @_sc_body(%arg0: i32, %arg1: i32, %arg2: memref<32x4x128xi32, #tpu.memory_space<hbm>>, %arg3: memref<32x4x128xi32, #tpu.memory_space<hbm>>, %arg4: memref<32x4x128xi32, #tpu.memory_space<hbm>>, %arg5: memref<1000000xf32, #tpu.memory_space<hbm>>, %arg6: memref<1000000xf32, #tpu.memory_space<hbm>>, %arg7: memref<16xf32, #tpu.memory_space<hbm>>, %arg8: memref<32x4x128xf32, #tpu.memory_space<hbm>>, %arg9: memref<4x128xi32, #tpu.memory_space<vmem>>, %arg10: memref<4x128xi32, #tpu.memory_space<vmem>>, %arg11: memref<4x128xi32, #tpu.memory_space<vmem>>, %arg12: memref<4x128xf32, #tpu.memory_space<vmem>>, %arg13: memref<4x128xf32, #tpu.memory_space<vmem>>, %arg14: memref<16xf32, #tpu.memory_space<vmem>>, %arg15: memref<4x128xf32, #tpu.memory_space<vmem>>, %arg16: memref<!tpu.dma_semaphore, #tpu.memory_space<semaphore_mem>>, %arg17: memref<!tpu.dma_semaphore, #tpu.memory_space<semaphore_mem>>, %arg18: memref<!tpu.dma_semaphore, #tpu.memory_space<semaphore_mem>>, %arg19: memref<!tpu.dma_semaphore, #tpu.memory_space<semaphore_mem>>, %arg20: memref<!tpu.dma_semaphore, #tpu.memory_space<semaphore_mem>>, %arg21: memref<!tpu.dma_semaphore, #tpu.memory_space<semaphore_mem>>, %arg22: memref<!tpu.dma_semaphore, #tpu.memory_space<semaphore_mem>>) attributes {dimension_semantics = [#tpu.dimension_semantics<core_parallel>, #tpu.dimension_semantics<subcore_parallel>], iteration_bounds = array<i64: 2, 16>, scalar_prefetch = 0 : i64, scratch_operands = 14 : i64, tpu.core_type = #tpu.core_type<sc_vector_subcore>, window_params = [{transform_indices = #map}, {transform_indices = #map}, {transform_indices = #map}, {transform_indices = #map1}, {transform_indices = #map1}, {transform_indices = #map1}, {transform_indices = #map}]} {
    %mul3A = arith.constant 2 : i32
    %mul3A_0 = arith.muli %arg1, %mul3A : i32
    %add3A = arith.addi %mul3A_0, %arg0 : i32
    %dma_start3A = arith.constant 0 : i32
    %dma_start3A_1 = arith.constant 0 : i32
    %dma_start3A_2 = tpu.memref_slice %arg2[%add3A, %dma_start3A, %dma_start3A_1] : memref<32x4x128xi32, #tpu.memory_space<hbm>> -> memref<1x4x128xi32, #tpu.memory_space<hbm>>
    %dma_start3A_3 = tpu.memref_squeeze %dma_start3A_2 : memref<1x4x128xi32, #tpu.memory_space<hbm>> -> memref<4x128xi32, #tpu.memory_space<hbm>>
    %dma_start3A_4 = arith.constant 0 : i32
    %dma_start3A_5 = arith.constant 0 : i32
    %dma_start3A_6 = tpu.memref_slice %arg2[%add3A, %dma_start3A_4, %dma_start3A_5] : memref<32x4x128xi32, #tpu.memory_space<hbm>> -> memref<1x4x128xi32, #tpu.memory_space<hbm>>
    %dma_start3A_7 = tpu.memref_squeeze %dma_start3A_6 : memref<1x4x128xi32, #tpu.memory_space<hbm>> -> memref<4x128xi32, #tpu.memory_space<hbm>>
    tpu.enqueue_dma source(%dma_start3A_7 : memref<4x128xi32, #tpu.memory_space<hbm>>) target(%arg9 : memref<4x128xi32, #tpu.memory_space<vmem>>) target_semaphore(%arg16 : memref<!tpu.dma_semaphore, #tpu.memory_space<semaphore_mem>>)
    %dma_start3A_8 = arith.constant 0 : i32
    %dma_start3A_9 = arith.constant 0 : i32
    %dma_start3A_10 = tpu.memref_slice %arg3[%add3A, %dma_start3A_8, %dma_start3A_9] : memref<32x4x128xi32, #tpu.memory_space<hbm>> -> memref<1x4x128xi32, #tpu.memory_space<hbm>>
    %dma_start3A_11 = tpu.memref_squeeze %dma_start3A_10 : memref<1x4x128xi32, #tpu.memory_space<hbm>> -> memref<4x128xi32, #tpu.memory_space<hbm>>
    %dma_start3A_12 = arith.constant 0 : i32
    %dma_start3A_13 = arith.constant 0 : i32
    %dma_start3A_14 = tpu.memref_slice %arg3[%add3A, %dma_start3A_12, %dma_start3A_13] : memref<32x4x128xi32, #tpu.memory_space<hbm>> -> memref<1x4x128xi32, #tpu.memory_space<hbm>>
    %dma_start3A_15 = tpu.memref_squeeze %dma_start3A_14 : memref<1x4x128xi32, #tpu.memory_space<hbm>> -> memref<4x128xi32, #tpu.memory_space<hbm>>
    tpu.enqueue_dma source(%dma_start3A_15 : memref<4x128xi32, #tpu.memory_space<hbm>>) target(%arg10 : memref<4x128xi32, #tpu.memory_space<vmem>>) target_semaphore(%arg16 : memref<!tpu.dma_semaphore, #tpu.memory_space<semaphore_mem>>)
    %dma_start3A_16 = arith.constant 0 : i32
    %dma_start3A_17 = arith.constant 0 : i32
    %dma_start3A_18 = tpu.memref_slice %arg4[%add3A, %dma_start3A_16, %dma_start3A_17] : memref<32x4x128xi32, #tpu.memory_space<hbm>> -> memref<1x4x128xi32, #tpu.memory_space<hbm>>
    %dma_start3A_19 = tpu.memref_squeeze %dma_start3A_18 : memref<1x4x128xi32, #tpu.memory_space<hbm>> -> memref<4x128xi32, #tpu.memory_space<hbm>>
    %dma_start3A_20 = arith.constant 0 : i32
    %dma_start3A_21 = arith.constant 0 : i32
    %dma_start3A_22 = tpu.memref_slice %arg4[%add3A, %dma_start3A_20, %dma_start3A_21] : memref<32x4x128xi32, #tpu.memory_space<hbm>> -> memref<1x4x128xi32, #tpu.memory_space<hbm>>
    %dma_start3A_23 = tpu.memref_squeeze %dma_start3A_22 : memref<1x4x128xi32, #tpu.memory_space<hbm>> -> memref<4x128xi32, #tpu.memory_space<hbm>>
    tpu.enqueue_dma source(%dma_start3A_23 : memref<4x128xi32, #tpu.memory_space<hbm>>) target(%arg11 : memref<4x128xi32, #tpu.memory_space<vmem>>) target_semaphore(%arg17 : memref<!tpu.dma_semaphore, #tpu.memory_space<semaphore_mem>>)
    tpu.enqueue_dma source(%arg7 : memref<16xf32, #tpu.memory_space<hbm>>) target(%arg14 : memref<16xf32, #tpu.memory_space<vmem>>) target_semaphore(%arg17 : memref<!tpu.dma_semaphore, #tpu.memory_space<semaphore_mem>>)
    %dma_wait3A = arith.constant 0 : i32
    %dma_wait3A_24 = arith.constant 0 : i32
    %dma_wait3A_25 = tpu.memref_slice %arg2[%add3A, %dma_wait3A, %dma_wait3A_24] : memref<32x4x128xi32, #tpu.memory_space<hbm>> -> memref<1x4x128xi32, #tpu.memory_space<hbm>>
    %dma_wait3A_26 = tpu.memref_squeeze %dma_wait3A_25 : memref<1x4x128xi32, #tpu.memory_space<hbm>> -> memref<4x128xi32, #tpu.memory_space<hbm>>
    %dma_wait3A_27 = arith.constant 0 : i32
    %dma_wait3A_28 = arith.constant 0 : i32
    %dma_wait3A_29 = tpu.memref_slice %arg2[%add3A, %dma_wait3A_27, %dma_wait3A_28] : memref<32x4x128xi32, #tpu.memory_space<hbm>> -> memref<1x4x128xi32, #tpu.memory_space<hbm>>
    %dma_wait3A_30 = tpu.memref_squeeze %dma_wait3A_29 : memref<1x4x128xi32, #tpu.memory_space<hbm>> -> memref<4x128xi32, #tpu.memory_space<hbm>>
    tpu.wait_dma2 semaphore(%arg16 : memref<!tpu.dma_semaphore, #tpu.memory_space<semaphore_mem>>) src(%dma_wait3A_30 : memref<4x128xi32, #tpu.memory_space<hbm>>) dst(%arg9 : memref<4x128xi32, #tpu.memory_space<vmem>>)
    %dma_wait3A_31 = arith.constant 0 : i32
    %dma_wait3A_32 = arith.constant 0 : i32
    %dma_wait3A_33 = tpu.memref_slice %arg3[%add3A, %dma_wait3A_31, %dma_wait3A_32] : memref<32x4x128xi32, #tpu.memory_space<hbm>> -> memref<1x4x128xi32, #tpu.memory_space<hbm>>
    %dma_wait3A_34 = tpu.memref_squeeze %dma_wait3A_33 : memref<1x4x128xi32, #tpu.memory_space<hbm>> -> memref<4x128xi32, #tpu.memory_space<hbm>>
    %dma_wait3A_35 = arith.constant 0 : i32
    %dma_wait3A_36 = arith.constant 0 : i32
    %dma_wait3A_37 = tpu.memref_slice %arg3[%add3A, %dma_wait3A_35, %dma_wait3A_36] : memref<32x4x128xi32, #tpu.memory_space<hbm>> -> memref<1x4x128xi32, #tpu.memory_space<hbm>>
    %dma_wait3A_38 = tpu.memref_squeeze %dma_wait3A_37 : memref<1x4x128xi32, #tpu.memory_space<hbm>> -> memref<4x128xi32, #tpu.memory_space<hbm>>
    tpu.wait_dma2 semaphore(%arg16 : memref<!tpu.dma_semaphore, #tpu.memory_space<semaphore_mem>>) src(%dma_wait3A_38 : memref<4x128xi32, #tpu.memory_space<hbm>>) dst(%arg10 : memref<4x128xi32, #tpu.memory_space<vmem>>)
    %dma_start3A_39 = arith.constant 0 : i32
    %dma_start3A_40 = arith.constant 0 : i32
    %dma_start3A_41 = arith.constant 0 : i32
    %dma_start3A_42 = tpu.memref_slice %arg12[%dma_start3A_40, %dma_start3A_41] : memref<4x128xf32, #tpu.memory_space<vmem>> -> memref<1x128xf32, #tpu.memory_space<vmem>>
    %dma_start3A_43 = tpu.memref_squeeze %dma_start3A_42 : memref<1x128xf32, #tpu.memory_space<vmem>> -> memref<128xf32, #tpu.memory_space<vmem>>
    %dma_start3A_44 = arith.constant 0 : i32
    %dma_start3A_45 = tpu.memref_slice %arg9[%dma_start3A_39, %dma_start3A_44] : memref<4x128xi32, #tpu.memory_space<vmem>> -> memref<1x128xi32, #tpu.memory_space<vmem>>
    %dma_start3A_46 = tpu.memref_squeeze %dma_start3A_45 : memref<1x128xi32, #tpu.memory_space<vmem>> -> memref<128xi32, #tpu.memory_space<vmem>>
    %dma_start3A_47 = arith.constant 0 : i32
    %dma_start3A_48 = tpu.memref_slice %arg5[%dma_start3A_47] : memref<1000000xf32, #tpu.memory_space<hbm>> -> memref<1000000xf32, #tpu.memory_space<hbm>>
    tpu.enqueue_indirect_dma source(%dma_start3A_48 : memref<1000000xf32, #tpu.memory_space<hbm>>) target(%dma_start3A_43 : memref<128xf32, #tpu.memory_space<vmem>>) offsets(%dma_start3A_46 : memref<128xi32, #tpu.memory_space<vmem>>) semaphore(%arg18 : memref<!tpu.dma_semaphore, #tpu.memory_space<semaphore_mem>>)
    %dma_start3A_49 = arith.constant 0 : i32
    %dma_start3A_50 = arith.constant 0 : i32
    %dma_start3A_51 = arith.constant 0 : i32
    %dma_start3A_52 = tpu.memref_slice %arg13[%dma_start3A_50, %dma_start3A_51] : memref<4x128xf32, #tpu.memory_space<vmem>> -> memref<1x128xf32, #tpu.memory_space<vmem>>
    %dma_start3A_53 = tpu.memref_squeeze %dma_start3A_52 : memref<1x128xf32, #tpu.memory_space<vmem>> -> memref<128xf32, #tpu.memory_space<vmem>>
    %dma_start3A_54 = arith.constant 0 : i32
    %dma_start3A_55 = tpu.memref_slice %arg10[%dma_start3A_49, %dma_start3A_54] : memref<4x128xi32, #tpu.memory_space<vmem>> -> memref<1x128xi32, #tpu.memory_space<vmem>>
    %dma_start3A_56 = tpu.memref_squeeze %dma_start3A_55 : memref<1x128xi32, #tpu.memory_space<vmem>> -> memref<128xi32, #tpu.memory_space<vmem>>
    %dma_start3A_57 = arith.constant 0 : i32
    %dma_start3A_58 = tpu.memref_slice %arg6[%dma_start3A_57] : memref<1000000xf32, #tpu.memory_space<hbm>> -> memref<1000000xf32, #tpu.memory_space<hbm>>
    tpu.enqueue_indirect_dma source(%dma_start3A_58 : memref<1000000xf32, #tpu.memory_space<hbm>>) target(%dma_start3A_53 : memref<128xf32, #tpu.memory_space<vmem>>) offsets(%dma_start3A_56 : memref<128xi32, #tpu.memory_space<vmem>>) semaphore(%arg18 : memref<!tpu.dma_semaphore, #tpu.memory_space<semaphore_mem>>)
    %dma_start3A_59 = arith.constant 1 : i32
    %dma_start3A_60 = arith.constant 1 : i32
    %dma_start3A_61 = arith.constant 0 : i32
    %dma_start3A_62 = tpu.memref_slice %arg12[%dma_start3A_60, %dma_start3A_61] : memref<4x128xf32, #tpu.memory_space<vmem>> -> memref<1x128xf32, #tpu.memory_space<vmem>>
    %dma_start3A_63 = tpu.memref_squeeze %dma_start3A_62 : memref<1x128xf32, #tpu.memory_space<vmem>> -> memref<128xf32, #tpu.memory_space<vmem>>
    %dma_start3A_64 = arith.constant 0 : i32
    %dma_start3A_65 = tpu.memref_slice %arg9[%dma_start3A_59, %dma_start3A_64] : memref<4x128xi32, #tpu.memory_space<vmem>> -> memref<1x128xi32, #tpu.memory_space<vmem>>
    %dma_start3A_66 = tpu.memref_squeeze %dma_start3A_65 : memref<1x128xi32, #tpu.memory_space<vmem>> -> memref<128xi32, #tpu.memory_space<vmem>>
    %dma_start3A_67 = arith.constant 0 : i32
    %dma_start3A_68 = tpu.memref_slice %arg5[%dma_start3A_67] : memref<1000000xf32, #tpu.memory_space<hbm>> -> memref<1000000xf32, #tpu.memory_space<hbm>>
    tpu.enqueue_indirect_dma source(%dma_start3A_68 : memref<1000000xf32, #tpu.memory_space<hbm>>) target(%dma_start3A_63 : memref<128xf32, #tpu.memory_space<vmem>>) offsets(%dma_start3A_66 : memref<128xi32, #tpu.memory_space<vmem>>) semaphore(%arg19 : memref<!tpu.dma_semaphore, #tpu.memory_space<semaphore_mem>>)
    %dma_start3A_69 = arith.constant 1 : i32
    %dma_start3A_70 = arith.constant 1 : i32
    %dma_start3A_71 = arith.constant 0 : i32
    %dma_start3A_72 = tpu.memref_slice %arg13[%dma_start3A_70, %dma_start3A_71] : memref<4x128xf32, #tpu.memory_space<vmem>> -> memref<1x128xf32, #tpu.memory_space<vmem>>
    %dma_start3A_73 = tpu.memref_squeeze %dma_start3A_72 : memref<1x128xf32, #tpu.memory_space<vmem>> -> memref<128xf32, #tpu.memory_space<vmem>>
    %dma_start3A_74 = arith.constant 0 : i32
    %dma_start3A_75 = tpu.memref_slice %arg10[%dma_start3A_69, %dma_start3A_74] : memref<4x128xi32, #tpu.memory_space<vmem>> -> memref<1x128xi32, #tpu.memory_space<vmem>>
    %dma_start3A_76 = tpu.memref_squeeze %dma_start3A_75 : memref<1x128xi32, #tpu.memory_space<vmem>> -> memref<128xi32, #tpu.memory_space<vmem>>
    %dma_start3A_77 = arith.constant 0 : i32
    %dma_start3A_78 = tpu.memref_slice %arg6[%dma_start3A_77] : memref<1000000xf32, #tpu.memory_space<hbm>> -> memref<1000000xf32, #tpu.memory_space<hbm>>
    tpu.enqueue_indirect_dma source(%dma_start3A_78 : memref<1000000xf32, #tpu.memory_space<hbm>>) target(%dma_start3A_73 : memref<128xf32, #tpu.memory_space<vmem>>) offsets(%dma_start3A_76 : memref<128xi32, #tpu.memory_space<vmem>>) semaphore(%arg19 : memref<!tpu.dma_semaphore, #tpu.memory_space<semaphore_mem>>)
    %dma_start3A_79 = arith.constant 2 : i32
    %dma_start3A_80 = arith.constant 2 : i32
    %dma_start3A_81 = arith.constant 0 : i32
    %dma_start3A_82 = tpu.memref_slice %arg12[%dma_start3A_80, %dma_start3A_81] : memref<4x128xf32, #tpu.memory_space<vmem>> -> memref<1x128xf32, #tpu.memory_space<vmem>>
    %dma_start3A_83 = tpu.memref_squeeze %dma_start3A_82 : memref<1x128xf32, #tpu.memory_space<vmem>> -> memref<128xf32, #tpu.memory_space<vmem>>
    %dma_start3A_84 = arith.constant 0 : i32
    %dma_start3A_85 = tpu.memref_slice %arg9[%dma_start3A_79, %dma_start3A_84] : memref<4x128xi32, #tpu.memory_space<vmem>> -> memref<1x128xi32, #tpu.memory_space<vmem>>
    %dma_start3A_86 = tpu.memref_squeeze %dma_start3A_85 : memref<1x128xi32, #tpu.memory_space<vmem>> -> memref<128xi32, #tpu.memory_space<vmem>>
    %dma_start3A_87 = arith.constant 0 : i32
    %dma_start3A_88 = tpu.memref_slice %arg5[%dma_start3A_87] : memref<1000000xf32, #tpu.memory_space<hbm>> -> memref<1000000xf32, #tpu.memory_space<hbm>>
    tpu.enqueue_indirect_dma source(%dma_start3A_88 : memref<1000000xf32, #tpu.memory_space<hbm>>) target(%dma_start3A_83 : memref<128xf32, #tpu.memory_space<vmem>>) offsets(%dma_start3A_86 : memref<128xi32, #tpu.memory_space<vmem>>) semaphore(%arg20 : memref<!tpu.dma_semaphore, #tpu.memory_space<semaphore_mem>>)
    %dma_start3A_89 = arith.constant 2 : i32
    %dma_start3A_90 = arith.constant 2 : i32
    %dma_start3A_91 = arith.constant 0 : i32
    %dma_start3A_92 = tpu.memref_slice %arg13[%dma_start3A_90, %dma_start3A_91] : memref<4x128xf32, #tpu.memory_space<vmem>> -> memref<1x128xf32, #tpu.memory_space<vmem>>
    %dma_start3A_93 = tpu.memref_squeeze %dma_start3A_92 : memref<1x128xf32, #tpu.memory_space<vmem>> -> memref<128xf32, #tpu.memory_space<vmem>>
    %dma_start3A_94 = arith.constant 0 : i32
    %dma_start3A_95 = tpu.memref_slice %arg10[%dma_start3A_89, %dma_start3A_94] : memref<4x128xi32, #tpu.memory_space<vmem>> -> memref<1x128xi32, #tpu.memory_space<vmem>>
    %dma_start3A_96 = tpu.memref_squeeze %dma_start3A_95 : memref<1x128xi32, #tpu.memory_space<vmem>> -> memref<128xi32, #tpu.memory_space<vmem>>
    %dma_start3A_97 = arith.constant 0 : i32
    %dma_start3A_98 = tpu.memref_slice %arg6[%dma_start3A_97] : memref<1000000xf32, #tpu.memory_space<hbm>> -> memref<1000000xf32, #tpu.memory_space<hbm>>
    tpu.enqueue_indirect_dma source(%dma_start3A_98 : memref<1000000xf32, #tpu.memory_space<hbm>>) target(%dma_start3A_93 : memref<128xf32, #tpu.memory_space<vmem>>) offsets(%dma_start3A_96 : memref<128xi32, #tpu.memory_space<vmem>>) semaphore(%arg20 : memref<!tpu.dma_semaphore, #tpu.memory_space<semaphore_mem>>)
    %dma_start3A_99 = arith.constant 3 : i32
    %dma_start3A_100 = arith.constant 3 : i32
    %dma_start3A_101 = arith.constant 0 : i32
    %dma_start3A_102 = tpu.memref_slice %arg12[%dma_start3A_100, %dma_start3A_101] : memref<4x128xf32, #tpu.memory_space<vmem>> -> memref<1x128xf32, #tpu.memory_space<vmem>>
    %dma_start3A_103 = tpu.memref_squeeze %dma_start3A_102 : memref<1x128xf32, #tpu.memory_space<vmem>> -> memref<128xf32, #tpu.memory_space<vmem>>
    %dma_start3A_104 = arith.constant 0 : i32
    %dma_start3A_105 = tpu.memref_slice %arg9[%dma_start3A_99, %dma_start3A_104] : memref<4x128xi32, #tpu.memory_space<vmem>> -> memref<1x128xi32, #tpu.memory_space<vmem>>
    %dma_start3A_106 = tpu.memref_squeeze %dma_start3A_105 : memref<1x128xi32, #tpu.memory_space<vmem>> -> memref<128xi32, #tpu.memory_space<vmem>>
    %dma_start3A_107 = arith.constant 0 : i32
    %dma_start3A_108 = tpu.memref_slice %arg5[%dma_start3A_107] : memref<1000000xf32, #tpu.memory_space<hbm>> -> memref<1000000xf32, #tpu.memory_space<hbm>>
    tpu.enqueue_indirect_dma source(%dma_start3A_108 : memref<1000000xf32, #tpu.memory_space<hbm>>) target(%dma_start3A_103 : memref<128xf32, #tpu.memory_space<vmem>>) offsets(%dma_start3A_106 : memref<128xi32, #tpu.memory_space<vmem>>) semaphore(%arg21 : memref<!tpu.dma_semaphore, #tpu.memory_space<semaphore_mem>>)
    %dma_start3A_109 = arith.constant 3 : i32
    %dma_start3A_110 = arith.constant 3 : i32
    %dma_start3A_111 = arith.constant 0 : i32
    %dma_start3A_112 = tpu.memref_slice %arg13[%dma_start3A_110, %dma_start3A_111] : memref<4x128xf32, #tpu.memory_space<vmem>> -> memref<1x128xf32, #tpu.memory_space<vmem>>
    %dma_start3A_113 = tpu.memref_squeeze %dma_start3A_112 : memref<1x128xf32, #tpu.memory_space<vmem>> -> memref<128xf32, #tpu.memory_space<vmem>>
    %dma_start3A_114 = arith.constant 0 : i32
    %dma_start3A_115 = tpu.memref_slice %arg10[%dma_start3A_109, %dma_start3A_114] : memref<4x128xi32, #tpu.memory_space<vmem>> -> memref<1x128xi32, #tpu.memory_space<vmem>>
    %dma_start3A_116 = tpu.memref_squeeze %dma_start3A_115 : memref<1x128xi32, #tpu.memory_space<vmem>> -> memref<128xi32, #tpu.memory_space<vmem>>
    %dma_start3A_117 = arith.constant 0 : i32
    %dma_start3A_118 = tpu.memref_slice %arg6[%dma_start3A_117] : memref<1000000xf32, #tpu.memory_space<hbm>> -> memref<1000000xf32, #tpu.memory_space<hbm>>
    tpu.enqueue_indirect_dma source(%dma_start3A_118 : memref<1000000xf32, #tpu.memory_space<hbm>>) target(%dma_start3A_113 : memref<128xf32, #tpu.memory_space<vmem>>) offsets(%dma_start3A_116 : memref<128xi32, #tpu.memory_space<vmem>>) semaphore(%arg21 : memref<!tpu.dma_semaphore, #tpu.memory_space<semaphore_mem>>)
    %dma_wait3A_119 = arith.constant 0 : i32
    %dma_wait3A_120 = arith.constant 0 : i32
    %dma_wait3A_121 = tpu.memref_slice %arg4[%add3A, %dma_wait3A_119, %dma_wait3A_120] : memref<32x4x128xi32, #tpu.memory_space<hbm>> -> memref<1x4x128xi32, #tpu.memory_space<hbm>>
    %dma_wait3A_122 = tpu.memref_squeeze %dma_wait3A_121 : memref<1x4x128xi32, #tpu.memory_space<hbm>> -> memref<4x128xi32, #tpu.memory_space<hbm>>
    %dma_wait3A_123 = arith.constant 0 : i32
    %dma_wait3A_124 = arith.constant 0 : i32
    %dma_wait3A_125 = tpu.memref_slice %arg4[%add3A, %dma_wait3A_123, %dma_wait3A_124] : memref<32x4x128xi32, #tpu.memory_space<hbm>> -> memref<1x4x128xi32, #tpu.memory_space<hbm>>
    %dma_wait3A_126 = tpu.memref_squeeze %dma_wait3A_125 : memref<1x4x128xi32, #tpu.memory_space<hbm>> -> memref<4x128xi32, #tpu.memory_space<hbm>>
    tpu.wait_dma2 semaphore(%arg17 : memref<!tpu.dma_semaphore, #tpu.memory_space<semaphore_mem>>) src(%dma_wait3A_126 : memref<4x128xi32, #tpu.memory_space<hbm>>) dst(%arg11 : memref<4x128xi32, #tpu.memory_space<vmem>>)
    tpu.wait_dma2 semaphore(%arg17 : memref<!tpu.dma_semaphore, #tpu.memory_space<semaphore_mem>>) src(%arg7 : memref<16xf32, #tpu.memory_space<hbm>>) dst(%arg14 : memref<16xf32, #tpu.memory_space<vmem>>)
    %get3A = arith.constant 0 : index
    %get3A_127 = tpu.vector_load %arg14[%get3A] {strides = array<i32>} : memref<16xf32, #tpu.memory_space<vmem>>, vector<16xf32>,
    %get3A_128 = vector.shape_cast %get3A_127 : vector<16xf32> to vector<16xf32>
    %dma_wait3A_129 = arith.constant 0 : i32
    %dma_wait3A_130 = arith.constant 0 : i32
    %dma_wait3A_131 = arith.constant 0 : i32
    %dma_wait3A_132 = tpu.memref_slice %arg12[%dma_wait3A_130, %dma_wait3A_131] : memref<4x128xf32, #tpu.memory_space<vmem>> -> memref<1x128xf32, #tpu.memory_space<vmem>>
    %dma_wait3A_133 = tpu.memref_squeeze %dma_wait3A_132 : memref<1x128xf32, #tpu.memory_space<vmem>> -> memref<128xf32, #tpu.memory_space<vmem>>
    %dma_wait3A_134 = arith.constant 0 : i32
    %dma_wait3A_135 = tpu.memref_slice %arg9[%dma_wait3A_129, %dma_wait3A_134] : memref<4x128xi32, #tpu.memory_space<vmem>> -> memref<1x128xi32, #tpu.memory_space<vmem>>
    %dma_wait3A_136 = tpu.memref_squeeze %dma_wait3A_135 : memref<1x128xi32, #tpu.memory_space<vmem>> -> memref<128xi32, #tpu.memory_space<vmem>>
    %dma_wait3A_137 = arith.constant 0 : i32
    %dma_wait3A_138 = tpu.memref_slice %arg5[%dma_wait3A_137] : memref<1000000xf32, #tpu.memory_space<hbm>> -> memref<1000000xf32, #tpu.memory_space<hbm>>
    tpu.wait_indirect_dma semaphore(%arg18 : memref<!tpu.dma_semaphore, #tpu.memory_space<semaphore_mem>>) src(%dma_wait3A_138 : memref<1000000xf32, #tpu.memory_space<hbm>>) dst(%dma_wait3A_133 : memref<128xf32, #tpu.memory_space<vmem>>)
    %dma_wait3A_139 = arith.constant 0 : i32
    %dma_wait3A_140 = arith.constant 0 : i32
    %dma_wait3A_141 = arith.constant 0 : i32
    %dma_wait3A_142 = tpu.memref_slice %arg13[%dma_wait3A_140, %dma_wait3A_141] : memref<4x128xf32, #tpu.memory_space<vmem>> -> memref<1x128xf32, #tpu.memory_space<vmem>>
    %dma_wait3A_143 = tpu.memref_squeeze %dma_wait3A_142 : memref<1x128xf32, #tpu.memory_space<vmem>> -> memref<128xf32, #tpu.memory_space<vmem>>
    %dma_wait3A_144 = arith.constant 0 : i32
    %dma_wait3A_145 = tpu.memref_slice %arg10[%dma_wait3A_139, %dma_wait3A_144] : memref<4x128xi32, #tpu.memory_space<vmem>> -> memref<1x128xi32, #tpu.memory_space<vmem>>
    %dma_wait3A_146 = tpu.memref_squeeze %dma_wait3A_145 : memref<1x128xi32, #tpu.memory_space<vmem>> -> memref<128xi32, #tpu.memory_space<vmem>>
    %dma_wait3A_147 = arith.constant 0 : i32
    %dma_wait3A_148 = tpu.memref_slice %arg6[%dma_wait3A_147] : memref<1000000xf32, #tpu.memory_space<hbm>> -> memref<1000000xf32, #tpu.memory_space<hbm>>
    tpu.wait_indirect_dma semaphore(%arg18 : memref<!tpu.dma_semaphore, #tpu.memory_space<semaphore_mem>>) src(%dma_wait3A_148 : memref<1000000xf32, #tpu.memory_space<hbm>>) dst(%dma_wait3A_143 : memref<128xf32, #tpu.memory_space<vmem>>)
    %get3A_149 = arith.constant 0 : i32
    %get3A_150 = arith.index_cast %get3A_149 : i32 to index
    %get3A_151 = arith.constant 0 : index
    %get3A_152 = tpu.vector_load %arg11[%get3A_150, %get3A_151] {strides = array<i32>} : memref<4x128xi32, #tpu.memory_space<vmem>>, vector<1x16xi32>,
    %get3A_153 = vector.shape_cast %get3A_152 : vector<1x16xi32> to vector<16xi32>
    %lt3A = arith.constant 0 : i32
    %lt3A_154 = vector.broadcast %lt3A : i32 to vector<16xi32>
    %lt3A_155 = arith.cmpi slt, %get3A_153, %lt3A_154 : vector<16xi32>
    %add3A_156 = arith.constant 16 : i32
    %add3A_157 = vector.broadcast %add3A_156 : i32 to vector<16xi32>
    %add3A_158 = arith.addi %get3A_153, %add3A_157 : vector<16xi32>
    %select_n3A = arith.select %lt3A_155, %add3A_158, %get3A_153 : vector<16xi1>, vector<16xi32>
    %broadcast_in_dim3A = vector.shape_cast %select_n3A : vector<16xi32> to vector<16x1xi32>
    %gather3A = vector.shape_cast %broadcast_in_dim3A : vector<16x1xi32> to vector<16xi32>
    %gather3A_159 = tpu.dynamic_gather %get3A_128[%gather3A] in [0] : vector<16xf32>, vector<16xi32> -> vector<16xf32>
    %get3A_160 = arith.constant 0 : i32
    %get3A_161 = arith.index_cast %get3A_160 : i32 to index
    %get3A_162 = arith.constant 0 : index
    %get3A_163 = tpu.vector_load %arg12[%get3A_161, %get3A_162] {strides = array<i32>} : memref<4x128xf32, #tpu.memory_space<vmem>>, vector<1x16xf32>,
    %get3A_164 = vector.shape_cast %get3A_163 : vector<1x16xf32> to vector<16xf32>
    %get3A_165 = arith.constant 0 : i32
    %get3A_166 = arith.index_cast %get3A_165 : i32 to index
    %get3A_167 = arith.constant 0 : index
    %get3A_168 = tpu.vector_load %arg13[%get3A_166, %get3A_167] {strides = array<i32>} : memref<4x128xf32, #tpu.memory_space<vmem>>, vector<1x16xf32>,
    %get3A_169 = vector.shape_cast %get3A_168 : vector<1x16xf32> to vector<16xf32>
    %add3A_170 = arith.addf %get3A_164, %get3A_169 : vector<16xf32>
    %add3A_171 = arith.addf %add3A_170, %gather3A_159 : vector<16xf32>
    %exp3A = math.exp %add3A_171 : vector<16xf32>
    %swap3A = arith.constant 0 : i32
    %swap3A_172 = arith.index_cast %swap3A : i32 to index
    %swap3A_173 = arith.constant 0 : index
    %swap3A_174 = tpu.vector_load %arg15[%swap3A_172, %swap3A_173] {strides = array<i32>} : memref<4x128xf32, #tpu.memory_space<vmem>>, vector<1x16xf32>,
    %swap3A_175 = vector.shape_cast %swap3A_174 : vector<1x16xf32> to vector<16xf32>
    %swap3A_176 = vector.shape_cast %exp3A : vector<16xf32> to vector<1x16xf32>
    tpu.vector_store %arg15[%swap3A_172, %swap3A_173], %swap3A_176 {strides = array<i32>} : memref<4x128xf32, #tpu.memory_space<vmem>>, vector<1x16xf32>,
    %get3A_177 = arith.constant 0 : i32
    %get3A_178 = arith.index_cast %get3A_177 : i32 to index
    %get3A_179 = arith.constant 16 : index
    %get3A_180 = tpu.vector_load %arg11[%get3A_178, %get3A_179] {strides = array<i32>} : memref<4x128xi32, #tpu.memory_space<vmem>>, vector<1x16xi32>,
    %get3A_181 = vector.shape_cast %get3A_180 : vector<1x16xi32> to vector<16xi32>
    %lt3A_182 = arith.constant 0 : i32
    %lt3A_183 = vector.broadcast %lt3A_182 : i32 to vector<16xi32>
    %lt3A_184 = arith.cmpi slt, %get3A_181, %lt3A_183 : vector<16xi32>
    %add3A_185 = arith.constant 16 : i32
    %add3A_186 = vector.broadcast %add3A_185 : i32 to vector<16xi32>
    %add3A_187 = arith.addi %get3A_181, %add3A_186 : vector<16xi32>
    %select_n3A_188 = arith.select %lt3A_184, %add3A_187, %get3A_181 : vector<16xi1>, vector<16xi32>
    %broadcast_in_dim3A_189 = vector.shape_cast %select_n3A_188 : vector<16xi32> to vector<16x1xi32>
    %gather3A_190 = vector.shape_cast %broadcast_in_dim3A_189 : vector<16x1xi32> to vector<16xi32>
    %gather3A_191 = tpu.dynamic_gather %get3A_128[%gather3A_190] in [0] : vector<16xf32>, vector<16xi32> -> vector<16xf32>
    %get3A_192 = arith.constant 0 : i32
    %get3A_193 = arith.index_cast %get3A_192 : i32 to index
    %get3A_194 = arith.constant 16 : index
    %get3A_195 = tpu.vector_load %arg12[%get3A_193, %get3A_194] {strides = array<i32>} : memref<4x128xf32, #tpu.memory_space<vmem>>, vector<1x16xf32>,
    %get3A_196 = vector.shape_cast %get3A_195 : vector<1x16xf32> to vector<16xf32>
    %get3A_197 = arith.constant 0 : i32
    %get3A_198 = arith.index_cast %get3A_197 : i32 to index
    %get3A_199 = arith.constant 16 : index
    %get3A_200 = tpu.vector_load %arg13[%get3A_198, %get3A_199] {strides = array<i32>} : memref<4x128xf32, #tpu.memory_space<vmem>>, vector<1x16xf32>,
    %get3A_201 = vector.shape_cast %get3A_200 : vector<1x16xf32> to vector<16xf32>
    %add3A_202 = arith.addf %get3A_196, %get3A_201 : vector<16xf32>
    %add3A_203 = arith.addf %add3A_202, %gather3A_191 : vector<16xf32>
    %exp3A_204 = math.exp %add3A_203 : vector<16xf32>
    %swap3A_205 = arith.constant 0 : i32
    %swap3A_206 = arith.index_cast %swap3A_205 : i32 to index
    %swap3A_207 = arith.constant 16 : index
    %swap3A_208 = tpu.vector_load %arg15[%swap3A_206, %swap3A_207] {strides = array<i32>} : memref<4x128xf32, #tpu.memory_space<vmem>>, vector<1x16xf32>,
    %swap3A_209 = vector.shape_cast %swap3A_208 : vector<1x16xf32> to vector<16xf32>
    %swap3A_210 = vector.shape_cast %exp3A_204 : vector<16xf32> to vector<1x16xf32>
    tpu.vector_store %arg15[%swap3A_206, %swap3A_207], %swap3A_210 {strides = array<i32>} : memref<4x128xf32, #tpu.memory_space<vmem>>, vector<1x16xf32>,
    %get3A_211 = arith.constant 0 : i32
    %get3A_212 = arith.index_cast %get3A_211 : i32 to index
    %get3A_213 = arith.constant 32 : index
    %get3A_214 = tpu.vector_load %arg11[%get3A_212, %get3A_213] {strides = array<i32>} : memref<4x128xi32, #tpu.memory_space<vmem>>, vector<1x16xi32>,
    %get3A_215 = vector.shape_cast %get3A_214 : vector<1x16xi32> to vector<16xi32>
    %lt3A_216 = arith.constant 0 : i32
    %lt3A_217 = vector.broadcast %lt3A_216 : i32 to vector<16xi32>
    %lt3A_218 = arith.cmpi slt, %get3A_215, %lt3A_217 : vector<16xi32>
    %add3A_219 = arith.constant 16 : i32
    %add3A_220 = vector.broadcast %add3A_219 : i32 to vector<16xi32>
    %add3A_221 = arith.addi %get3A_215, %add3A_220 : vector<16xi32>
    %select_n3A_222 = arith.select %lt3A_218, %add3A_221, %get3A_215 : vector<16xi1>, vector<16xi32>
    %broadcast_in_dim3A_223 = vector.shape_cast %select_n3A_222 : vector<16xi32> to vector<16x1xi32>
    %gather3A_224 = vector.shape_cast %broadcast_in_dim3A_223 : vector<16x1xi32> to vector<16xi32>
    %gather3A_225 = tpu.dynamic_gather %get3A_128[%gather3A_224] in [0] : vector<16xf32>, vector<16xi32> -> vector<16xf32>
    %get3A_226 = arith.constant 0 : i32
    %get3A_227 = arith.index_cast %get3A_226 : i32 to index
    %get3A_228 = arith.constant 32 : index
    %get3A_229 = tpu.vector_load %arg12[%get3A_227, %get3A_228] {strides = array<i32>} : memref<4x128xf32, #tpu.memory_space<vmem>>, vector<1x16xf32>,
    %get3A_230 = vector.shape_cast %get3A_229 : vector<1x16xf32> to vector<16xf32>
    %get3A_231 = arith.constant 0 : i32
    %get3A_232 = arith.index_cast %get3A_231 : i32 to index
    %get3A_233 = arith.constant 32 : index
    %get3A_234 = tpu.vector_load %arg13[%get3A_232, %get3A_233] {strides = array<i32>} : memref<4x128xf32, #tpu.memory_space<vmem>>, vector<1x16xf32>,
    %get3A_235 = vector.shape_cast %get3A_234 : vector<1x16xf32> to vector<16xf32>
    %add3A_236 = arith.addf %get3A_230, %get3A_235 : vector<16xf32>
    %add3A_237 = arith.addf %add3A_236, %gather3A_225 : vector<16xf32>
    %exp3A_238 = math.exp %add3A_237 : vector<16xf32>
    %swap3A_239 = arith.constant 0 : i32
    %swap3A_240 = arith.index_cast %swap3A_239 : i32 to index
    %swap3A_241 = arith.constant 32 : index
    %swap3A_242 = tpu.vector_load %arg15[%swap3A_240, %swap3A_241] {strides = array<i32>} : memref<4x128xf32, #tpu.memory_space<vmem>>, vector<1x16xf32>,
    %swap3A_243 = vector.shape_cast %swap3A_242 : vector<1x16xf32> to vector<16xf32>
    %swap3A_244 = vector.shape_cast %exp3A_238 : vector<16xf32> to vector<1x16xf32>
    tpu.vector_store %arg15[%swap3A_240, %swap3A_241], %swap3A_244 {strides = array<i32>} : memref<4x128xf32, #tpu.memory_space<vmem>>, vector<1x16xf32>,
    %get3A_245 = arith.constant 0 : i32
    %get3A_246 = arith.index_cast %get3A_245 : i32 to index
    %get3A_247 = arith.constant 48 : index
    %get3A_248 = tpu.vector_load %arg11[%get3A_246, %get3A_247] {strides = array<i32>} : memref<4x128xi32, #tpu.memory_space<vmem>>, vector<1x16xi32>,
    %get3A_249 = vector.shape_cast %get3A_248 : vector<1x16xi32> to vector<16xi32>
    %lt3A_250 = arith.constant 0 : i32
    %lt3A_251 = vector.broadcast %lt3A_250 : i32 to vector<16xi32>
    %lt3A_252 = arith.cmpi slt, %get3A_249, %lt3A_251 : vector<16xi32>
    %add3A_253 = arith.constant 16 : i32
    %add3A_254 = vector.broadcast %add3A_253 : i32 to vector<16xi32>
    %add3A_255 = arith.addi %get3A_249, %add3A_254 : vector<16xi32>
    %select_n3A_256 = arith.select %lt3A_252, %add3A_255, %get3A_249 : vector<16xi1>, vector<16xi32>
    %broadcast_in_dim3A_257 = vector.shape_cast %select_n3A_256 : vector<16xi32> to vector<16x1xi32>
    %gather3A_258 = vector.shape_cast %broadcast_in_dim3A_257 : vector<16x1xi32> to vector<16xi32>
    %gather3A_259 = tpu.dynamic_gather %get3A_128[%gather3A_258] in [0] : vector<16xf32>, vector<16xi32> -> vector<16xf32>
    %get3A_260 = arith.constant 0 : i32
    %get3A_261 = arith.index_cast %get3A_260 : i32 to index
    %get3A_262 = arith.constant 48 : index
    %get3A_263 = tpu.vector_load %arg12[%get3A_261, %get3A_262] {strides = array<i32>} : memref<4x128xf32, #tpu.memory_space<vmem>>, vector<1x16xf32>,
    %get3A_264 = vector.shape_cast %get3A_263 : vector<1x16xf32> to vector<16xf32>
    %get3A_265 = arith.constant 0 : i32
    %get3A_266 = arith.index_cast %get3A_265 : i32 to index
    %get3A_267 = arith.constant 48 : index
    %get3A_268 = tpu.vector_load %arg13[%get3A_266, %get3A_267] {strides = array<i32>} : memref<4x128xf32, #tpu.memory_space<vmem>>, vector<1x16xf32>,
    %get3A_269 = vector.shape_cast %get3A_268 : vector<1x16xf32> to vector<16xf32>
    %add3A_270 = arith.addf %get3A_264, %get3A_269 : vector<16xf32>
    %add3A_271 = arith.addf %add3A_270, %gather3A_259 : vector<16xf32>
    %exp3A_272 = math.exp %add3A_271 : vector<16xf32>
    %swap3A_273 = arith.constant 0 : i32
    %swap3A_274 = arith.index_cast %swap3A_273 : i32 to index
    %swap3A_275 = arith.constant 48 : index
    %swap3A_276 = tpu.vector_load %arg15[%swap3A_274, %swap3A_275] {strides = array<i32>} : memref<4x128xf32, #tpu.memory_space<vmem>>, vector<1x16xf32>,
    %swap3A_277 = vector.shape_cast %swap3A_276 : vector<1x16xf32> to vector<16xf32>
    %swap3A_278 = vector.shape_cast %exp3A_272 : vector<16xf32> to vector<1x16xf32>
    tpu.vector_store %arg15[%swap3A_274, %swap3A_275], %swap3A_278 {strides = array<i32>} : memref<4x128xf32, #tpu.memory_space<vmem>>, vector<1x16xf32>,
    %get3A_279 = arith.constant 0 : i32
    %get3A_280 = arith.index_cast %get3A_279 : i32 to index
    %get3A_281 = arith.constant 64 : index
    %get3A_282 = tpu.vector_load %arg11[%get3A_280, %get3A_281] {strides = array<i32>} : memref<4x128xi32, #tpu.memory_space<vmem>>, vector<1x16xi32>,
    %get3A_283 = vector.shape_cast %get3A_282 : vector<1x16xi32> to vector<16xi32>
    %lt3A_284 = arith.constant 0 : i32
    %lt3A_285 = vector.broadcast %lt3A_284 : i32 to vector<16xi32>
    %lt3A_286 = arith.cmpi slt, %get3A_283, %lt3A_285 : vector<16xi32>
    %add3A_287 = arith.constant 16 : i32
    %add3A_288 = vector.broadcast %add3A_287 : i32 to vector<16xi32>
    %add3A_289 = arith.addi %get3A_283, %add3A_288 : vector<16xi32>
    %select_n3A_290 = arith.select %lt3A_286, %add3A_289, %get3A_283 : vector<16xi1>, vector<16xi32>
    %broadcast_in_dim3A_291 = vector.shape_cast %select_n3A_290 : vector<16xi32> to vector<16x1xi32>
    %gather3A_292 = vector.shape_cast %broadcast_in_dim3A_291 : vector<16x1xi32> to vector<16xi32>
    %gather3A_293 = tpu.dynamic_gather %get3A_128[%gather3A_292] in [0] : vector<16xf32>, vector<16xi32> -> vector<16xf32>
    %get3A_294 = arith.constant 0 : i32
    %get3A_295 = arith.index_cast %get3A_294 : i32 to index
    %get3A_296 = arith.constant 64 : index
    %get3A_297 = tpu.vector_load %arg12[%get3A_295, %get3A_296] {strides = array<i32>} : memref<4x128xf32, #tpu.memory_space<vmem>>, vector<1x16xf32>,
    %get3A_298 = vector.shape_cast %get3A_297 : vector<1x16xf32> to vector<16xf32>
    %get3A_299 = arith.constant 0 : i32
    %get3A_300 = arith.index_cast %get3A_299 : i32 to index
    %get3A_301 = arith.constant 64 : index
    %get3A_302 = tpu.vector_load %arg13[%get3A_300, %get3A_301] {strides = array<i32>} : memref<4x128xf32, #tpu.memory_space<vmem>>, vector<1x16xf32>,
    %get3A_303 = vector.shape_cast %get3A_302 : vector<1x16xf32> to vector<16xf32>
    %add3A_304 = arith.addf %get3A_298, %get3A_303 : vector<16xf32>
    %add3A_305 = arith.addf %add3A_304, %gather3A_293 : vector<16xf32>
    %exp3A_306 = math.exp %add3A_305 : vector<16xf32>
    %swap3A_307 = arith.constant 0 : i32
    %swap3A_308 = arith.index_cast %swap3A_307 : i32 to index
    %swap3A_309 = arith.constant 64 : index
    %swap3A_310 = tpu.vector_load %arg15[%swap3A_308, %swap3A_309] {strides = array<i32>} : memref<4x128xf32, #tpu.memory_space<vmem>>, vector<1x16xf32>,
    %swap3A_311 = vector.shape_cast %swap3A_310 : vector<1x16xf32> to vector<16xf32>
    %swap3A_312 = vector.shape_cast %exp3A_306 : vector<16xf32> to vector<1x16xf32>
    tpu.vector_store %arg15[%swap3A_308, %swap3A_309], %swap3A_312 {strides = array<i32>} : memref<4x128xf32, #tpu.memory_space<vmem>>, vector<1x16xf32>,
    %get3A_313 = arith.constant 0 : i32
    %get3A_314 = arith.index_cast %get3A_313 : i32 to index
    %get3A_315 = arith.constant 80 : index
    %get3A_316 = tpu.vector_load %arg11[%get3A_314, %get3A_315] {strides = array<i32>} : memref<4x128xi32, #tpu.memory_space<vmem>>, vector<1x16xi32>,
    %get3A_317 = vector.shape_cast %get3A_316 : vector<1x16xi32> to vector<16xi32>
    %lt3A_318 = arith.constant 0 : i32
    %lt3A_319 = vector.broadcast %lt3A_318 : i32 to vector<16xi32>
    %lt3A_320 = arith.cmpi slt, %get3A_317, %lt3A_319 : vector<16xi32>
    %add3A_321 = arith.constant 16 : i32
    %add3A_322 = vector.broadcast %add3A_321 : i32 to vector<16xi32>
    %add3A_323 = arith.addi %get3A_317, %add3A_322 : vector<16xi32>
    %select_n3A_324 = arith.select %lt3A_320, %add3A_323, %get3A_317 : vector<16xi1>, vector<16xi32>
    %broadcast_in_dim3A_325 = vector.shape_cast %select_n3A_324 : vector<16xi32> to vector<16x1xi32>
    %gather3A_326 = vector.shape_cast %broadcast_in_dim3A_325 : vector<16x1xi32> to vector<16xi32>
    %gather3A_327 = tpu.dynamic_gather %get3A_128[%gather3A_326] in [0] : vector<16xf32>, vector<16xi32> -> vector<16xf32>
    %get3A_328 = arith.constant 0 : i32
    %get3A_329 = arith.index_cast %get3A_328 : i32 to index
    %get3A_330 = arith.constant 80 : index
    %get3A_331 = tpu.vector_load %arg12[%get3A_329, %get3A_330] {strides = array<i32>} : memref<4x128xf32, #tpu.memory_space<vmem>>, vector<1x16xf32>,
    %get3A_332 = vector.shape_cast %get3A_331 : vector<1x16xf32> to vector<16xf32>
    %get3A_333 = arith.constant 0 : i32
    %get3A_334 = arith.index_cast %get3A_333 : i32 to index
    %get3A_335 = arith.constant 80 : index
    %get3A_336 = tpu.vector_load %arg13[%get3A_334, %get3A_335] {strides = array<i32>} : memref<4x128xf32, #tpu.memory_space<vmem>>, vector<1x16xf32>,
    %get3A_337 = vector.shape_cast %get3A_336 : vector<1x16xf32> to vector<16xf32>
    %add3A_338 = arith.addf %get3A_332, %get3A_337 : vector<16xf32>
    %add3A_339 = arith.addf %add3A_338, %gather3A_327 : vector<16xf32>
    %exp3A_340 = math.exp %add3A_339 : vector<16xf32>
    %swap3A_341 = arith.constant 0 : i32
    %swap3A_342 = arith.index_cast %swap3A_341 : i32 to index
    %swap3A_343 = arith.constant 80 : index
    %swap3A_344 = tpu.vector_load %arg15[%swap3A_342, %swap3A_343] {strides = array<i32>} : memref<4x128xf32, #tpu.memory_space<vmem>>, vector<1x16xf32>,
    %swap3A_345 = vector.shape_cast %swap3A_344 : vector<1x16xf32> to vector<16xf32>
    %swap3A_346 = vector.shape_cast %exp3A_340 : vector<16xf32> to vector<1x16xf32>
    tpu.vector_store %arg15[%swap3A_342, %swap3A_343], %swap3A_346 {strides = array<i32>} : memref<4x128xf32, #tpu.memory_space<vmem>>, vector<1x16xf32>,
    %get3A_347 = arith.constant 0 : i32
    %get3A_348 = arith.index_cast %get3A_347 : i32 to index
    %get3A_349 = arith.constant 96 : index
    %get3A_350 = tpu.vector_load %arg11[%get3A_348, %get3A_349] {strides = array<i32>} : memref<4x128xi32, #tpu.memory_space<vmem>>, vector<1x16xi32>,
    %get3A_351 = vector.shape_cast %get3A_350 : vector<1x16xi32> to vector<16xi32>
    %lt3A_352 = arith.constant 0 : i32
    %lt3A_353 = vector.broadcast %lt3A_352 : i32 to vector<16xi32>
    %lt3A_354 = arith.cmpi slt, %get3A_351, %lt3A_353 : vector<16xi32>
    %add3A_355 = arith.constant 16 : i32
    %add3A_356 = vector.broadcast %add3A_355 : i32 to vector<16xi32>
    %add3A_357 = arith.addi %get3A_351, %add3A_356 : vector<16xi32>
    %select_n3A_358 = arith.select %lt3A_354, %add3A_357, %get3A_351 : vector<16xi1>, vector<16xi32>
    %broadcast_in_dim3A_359 = vector.shape_cast %select_n3A_358 : vector<16xi32> to vector<16x1xi32>
    %gather3A_360 = vector.shape_cast %broadcast_in_dim3A_359 : vector<16x1xi32> to vector<16xi32>
    %gather3A_361 = tpu.dynamic_gather %get3A_128[%gather3A_360] in [0] : vector<16xf32>, vector<16xi32> -> vector<16xf32>
    %get3A_362 = arith.constant 0 : i32
    %get3A_363 = arith.index_cast %get3A_362 : i32 to index
    %get3A_364 = arith.constant 96 : index
    %get3A_365 = tpu.vector_load %arg12[%get3A_363, %get3A_364] {strides = array<i32>} : memref<4x128xf32, #tpu.memory_space<vmem>>, vector<1x16xf32>,
    %get3A_366 = vector.shape_cast %get3A_365 : vector<1x16xf32> to vector<16xf32>
    %get3A_367 = arith.constant 0 : i32
    %get3A_368 = arith.index_cast %get3A_367 : i32 to index
    %get3A_369 = arith.constant 96 : index
    %get3A_370 = tpu.vector_load %arg13[%get3A_368, %get3A_369] {strides = array<i32>} : memref<4x128xf32, #tpu.memory_space<vmem>>, vector<1x16xf32>,
    %get3A_371 = vector.shape_cast %get3A_370 : vector<1x16xf32> to vector<16xf32>
    %add3A_372 = arith.addf %get3A_366, %get3A_371 : vector<16xf32>
    %add3A_373 = arith.addf %add3A_372, %gather3A_361 : vector<16xf32>
    %exp3A_374 = math.exp %add3A_373 : vector<16xf32>
    %swap3A_375 = arith.constant 0 : i32
    %swap3A_376 = arith.index_cast %swap3A_375 : i32 to index
    %swap3A_377 = arith.constant 96 : index
    %swap3A_378 = tpu.vector_load %arg15[%swap3A_376, %swap3A_377] {strides = array<i32>} : memref<4x128xf32, #tpu.memory_space<vmem>>, vector<1x16xf32>,
    %swap3A_379 = vector.shape_cast %swap3A_378 : vector<1x16xf32> to vector<16xf32>
    %swap3A_380 = vector.shape_cast %exp3A_374 : vector<16xf32> to vector<1x16xf32>
    tpu.vector_store %arg15[%swap3A_376, %swap3A_377], %swap3A_380 {strides = array<i32>} : memref<4x128xf32, #tpu.memory_space<vmem>>, vector<1x16xf32>,
    %get3A_381 = arith.constant 0 : i32
    %get3A_382 = arith.index_cast %get3A_381 : i32 to index
    %get3A_383 = arith.constant 112 : index
    %get3A_384 = tpu.vector_load %arg11[%get3A_382, %get3A_383] {strides = array<i32>} : memref<4x128xi32, #tpu.memory_space<vmem>>, vector<1x16xi32>,
    %get3A_385 = vector.shape_cast %get3A_384 : vector<1x16xi32> to vector<16xi32>
    %lt3A_386 = arith.constant 0 : i32
    %lt3A_387 = vector.broadcast %lt3A_386 : i32 to vector<16xi32>
    %lt3A_388 = arith.cmpi slt, %get3A_385, %lt3A_387 : vector<16xi32>
    %add3A_389 = arith.constant 16 : i32
    %add3A_390 = vector.broadcast %add3A_389 : i32 to vector<16xi32>
    %add3A_391 = arith.addi %get3A_385, %add3A_390 : vector<16xi32>
    %select_n3A_392 = arith.select %lt3A_388, %add3A_391, %get3A_385 : vector<16xi1>, vector<16xi32>
    %broadcast_in_dim3A_393 = vector.shape_cast %select_n3A_392 : vector<16xi32> to vector<16x1xi32>
    %gather3A_394 = vector.shape_cast %broadcast_in_dim3A_393 : vector<16x1xi32> to vector<16xi32>
    %gather3A_395 = tpu.dynamic_gather %get3A_128[%gather3A_394] in [0] : vector<16xf32>, vector<16xi32> -> vector<16xf32>
    %get3A_396 = arith.constant 0 : i32
    %get3A_397 = arith.index_cast %get3A_396 : i32 to index
    %get3A_398 = arith.constant 112 : index
    %get3A_399 = tpu.vector_load %arg12[%get3A_397, %get3A_398] {strides = array<i32>} : memref<4x128xf32, #tpu.memory_space<vmem>>, vector<1x16xf32>,
    %get3A_400 = vector.shape_cast %get3A_399 : vector<1x16xf32> to vector<16xf32>
    %get3A_401 = arith.constant 0 : i32
    %get3A_402 = arith.index_cast %get3A_401 : i32 to index
    %get3A_403 = arith.constant 112 : index
    %get3A_404 = tpu.vector_load %arg13[%get3A_402, %get3A_403] {strides = array<i32>} : memref<4x128xf32, #tpu.memory_space<vmem>>, vector<1x16xf32>,
    %get3A_405 = vector.shape_cast %get3A_404 : vector<1x16xf32> to vector<16xf32>
    %add3A_406 = arith.addf %get3A_400, %get3A_405 : vector<16xf32>
    %add3A_407 = arith.addf %add3A_406, %gather3A_395 : vector<16xf32>
    %exp3A_408 = math.exp %add3A_407 : vector<16xf32>
    %swap3A_409 = arith.constant 0 : i32
    %swap3A_410 = arith.index_cast %swap3A_409 : i32 to index
    %swap3A_411 = arith.constant 112 : index
    %swap3A_412 = tpu.vector_load %arg15[%swap3A_410, %swap3A_411] {strides = array<i32>} : memref<4x128xf32, #tpu.memory_space<vmem>>, vector<1x16xf32>,
    %swap3A_413 = vector.shape_cast %swap3A_412 : vector<1x16xf32> to vector<16xf32>
    %swap3A_414 = vector.shape_cast %exp3A_408 : vector<16xf32> to vector<1x16xf32>
    tpu.vector_store %arg15[%swap3A_410, %swap3A_411], %swap3A_414 {strides = array<i32>} : memref<4x128xf32, #tpu.memory_space<vmem>>, vector<1x16xf32>,
    %dma_start3A_415 = arith.constant 0 : i32
    %dma_start3A_416 = arith.constant 0 : i32
    %dma_start3A_417 = arith.constant 0 : i32
    %dma_start3A_418 = tpu.memref_slice %arg15[%dma_start3A_415, %dma_start3A_417] : memref<4x128xf32, #tpu.memory_space<vmem>> -> memref<1x128xf32, #tpu.memory_space<vmem>>
    %dma_start3A_419 = tpu.memref_squeeze %dma_start3A_418 : memref<1x128xf32, #tpu.memory_space<vmem>> -> memref<128xf32, #tpu.memory_space<vmem>>
    %dma_start3A_420 = arith.constant 0 : i32
    %dma_start3A_421 = tpu.memref_slice %arg8[%add3A, %dma_start3A_416, %dma_start3A_420] : memref<32x4x128xf32, #tpu.memory_space<hbm>> -> memref<1x1x128xf32, #tpu.memory_space<hbm>>
    %dma_start3A_422 = tpu.memref_squeeze %dma_start3A_421 : memref<1x1x128xf32, #tpu.memory_space<hbm>> -> memref<128xf32, #tpu.memory_space<hbm>>
    %dma_start3A_423 = arith.constant 0 : i32
    %dma_start3A_424 = tpu.memref_slice %arg8[%add3A, %dma_start3A_416, %dma_start3A_423] : memref<32x4x128xf32, #tpu.memory_space<hbm>> -> memref<1x1x128xf32, #tpu.memory_space<hbm>>
    %dma_start3A_425 = tpu.memref_squeeze %dma_start3A_424 : memref<1x1x128xf32, #tpu.memory_space<hbm>> -> memref<128xf32, #tpu.memory_space<hbm>>
    %dma_start3A_426 = arith.constant 0 : i32
    %dma_start3A_427 = tpu.memref_slice %arg15[%dma_start3A_415, %dma_start3A_426] : memref<4x128xf32, #tpu.memory_space<vmem>> -> memref<1x128xf32, #tpu.memory_space<vmem>>
    %dma_start3A_428 = tpu.memref_squeeze %dma_start3A_427 : memref<1x128xf32, #tpu.memory_space<vmem>> -> memref<128xf32, #tpu.memory_space<vmem>>
    tpu.enqueue_dma source(%dma_start3A_428 : memref<128xf32, #tpu.memory_space<vmem>>) target(%dma_start3A_425 : memref<128xf32, #tpu.memory_space<hbm>>) target_semaphore(%arg22 : memref<!tpu.dma_semaphore, #tpu.memory_space<semaphore_mem>>)
    %dma_wait3A_429 = arith.constant 1 : i32
    %dma_wait3A_430 = arith.constant 1 : i32
    %dma_wait3A_431 = arith.constant 0 : i32
    %dma_wait3A_432 = tpu.memref_slice %arg12[%dma_wait3A_430, %dma_wait3A_431] : memref<4x128xf32, #tpu.memory_space<vmem>> -> memref<1x128xf32, #tpu.memory_space<vmem>>
    %dma_wait3A_433 = tpu.memref_squeeze %dma_wait3A_432 : memref<1x128xf32, #tpu.memory_space<vmem>> -> memref<128xf32, #tpu.memory_space<vmem>>
    %dma_wait3A_434 = arith.constant 0 : i32
    %dma_wait3A_435 = tpu.memref_slice %arg9[%dma_wait3A_429, %dma_wait3A_434] : memref<4x128xi32, #tpu.memory_space<vmem>> -> memref<1x128xi32, #tpu.memory_space<vmem>>
    %dma_wait3A_436 = tpu.memref_squeeze %dma_wait3A_435 : memref<1x128xi32, #tpu.memory_space<vmem>> -> memref<128xi32, #tpu.memory_space<vmem>>
    %dma_wait3A_437 = arith.constant 0 : i32
    %dma_wait3A_438 = tpu.memref_slice %arg5[%dma_wait3A_437] : memref<1000000xf32, #tpu.memory_space<hbm>> -> memref<1000000xf32, #tpu.memory_space<hbm>>
    tpu.wait_indirect_dma semaphore(%arg19 : memref<!tpu.dma_semaphore, #tpu.memory_space<semaphore_mem>>) src(%dma_wait3A_438 : memref<1000000xf32, #tpu.memory_space<hbm>>) dst(%dma_wait3A_433 : memref<128xf32, #tpu.memory_space<vmem>>)
    %dma_wait3A_439 = arith.constant 1 : i32
    %dma_wait3A_440 = arith.constant 1 : i32
    %dma_wait3A_441 = arith.constant 0 : i32
    %dma_wait3A_442 = tpu.memref_slice %arg13[%dma_wait3A_440, %dma_wait3A_441] : memref<4x128xf32, #tpu.memory_space<vmem>> -> memref<1x128xf32, #tpu.memory_space<vmem>>
    %dma_wait3A_443 = tpu.memref_squeeze %dma_wait3A_442 : memref<1x128xf32, #tpu.memory_space<vmem>> -> memref<128xf32, #tpu.memory_space<vmem>>
    %dma_wait3A_444 = arith.constant 0 : i32
    %dma_wait3A_445 = tpu.memref_slice %arg10[%dma_wait3A_439, %dma_wait3A_444] : memref<4x128xi32, #tpu.memory_space<vmem>> -> memref<1x128xi32, #tpu.memory_space<vmem>>
    %dma_wait3A_446 = tpu.memref_squeeze %dma_wait3A_445 : memref<1x128xi32, #tpu.memory_space<vmem>> -> memref<128xi32, #tpu.memory_space<vmem>>
    %dma_wait3A_447 = arith.constant 0 : i32
    %dma_wait3A_448 = tpu.memref_slice %arg6[%dma_wait3A_447] : memref<1000000xf32, #tpu.memory_space<hbm>> -> memref<1000000xf32, #tpu.memory_space<hbm>>
    tpu.wait_indirect_dma semaphore(%arg19 : memref<!tpu.dma_semaphore, #tpu.memory_space<semaphore_mem>>) src(%dma_wait3A_448 : memref<1000000xf32, #tpu.memory_space<hbm>>) dst(%dma_wait3A_443 : memref<128xf32, #tpu.memory_space<vmem>>)
    %get3A_449 = arith.constant 1 : i32
    %get3A_450 = arith.index_cast %get3A_449 : i32 to index
    %get3A_451 = arith.constant 0 : index
    %get3A_452 = tpu.vector_load %arg11[%get3A_450, %get3A_451] {strides = array<i32>} : memref<4x128xi32, #tpu.memory_space<vmem>>, vector<1x16xi32>,
    %get3A_453 = vector.shape_cast %get3A_452 : vector<1x16xi32> to vector<16xi32>
    %lt3A_454 = arith.constant 0 : i32
    %lt3A_455 = vector.broadcast %lt3A_454 : i32 to vector<16xi32>
    %lt3A_456 = arith.cmpi slt, %get3A_453, %lt3A_455 : vector<16xi32>
    %add3A_457 = arith.constant 16 : i32
    %add3A_458 = vector.broadcast %add3A_457 : i32 to vector<16xi32>
    %add3A_459 = arith.addi %get3A_453, %add3A_458 : vector<16xi32>
    %select_n3A_460 = arith.select %lt3A_456, %add3A_459, %get3A_453 : vector<16xi1>, vector<16xi32>
    %broadcast_in_dim3A_461 = vector.shape_cast %select_n3A_460 : vector<16xi32> to vector<16x1xi32>
    %gather3A_462 = vector.shape_cast %broadcast_in_dim3A_461 : vector<16x1xi32> to vector<16xi32>
    %gather3A_463 = tpu.dynamic_gather %get3A_128[%gather3A_462] in [0] : vector<16xf32>, vector<16xi32> -> vector<16xf32>
    %get3A_464 = arith.constant 1 : i32
    %get3A_465 = arith.index_cast %get3A_464 : i32 to index
    %get3A_466 = arith.constant 0 : index
    %get3A_467 = tpu.vector_load %arg12[%get3A_465, %get3A_466] {strides = array<i32>} : memref<4x128xf32, #tpu.memory_space<vmem>>, vector<1x16xf32>,
    %get3A_468 = vector.shape_cast %get3A_467 : vector<1x16xf32> to vector<16xf32>
    %get3A_469 = arith.constant 1 : i32
    %get3A_470 = arith.index_cast %get3A_469 : i32 to index
    %get3A_471 = arith.constant 0 : index
    %get3A_472 = tpu.vector_load %arg13[%get3A_470, %get3A_471] {strides = array<i32>} : memref<4x128xf32, #tpu.memory_space<vmem>>, vector<1x16xf32>,
    %get3A_473 = vector.shape_cast %get3A_472 : vector<1x16xf32> to vector<16xf32>
    %add3A_474 = arith.addf %get3A_468, %get3A_473 : vector<16xf32>
    %add3A_475 = arith.addf %add3A_474, %gather3A_463 : vector<16xf32>
    %exp3A_476 = math.exp %add3A_475 : vector<16xf32>
    %swap3A_477 = arith.constant 1 : i32
    %swap3A_478 = arith.index_cast %swap3A_477 : i32 to index
    %swap3A_479 = arith.constant 0 : index
    %swap3A_480 = tpu.vector_load %arg15[%swap3A_478, %swap3A_479] {strides = array<i32>} : memref<4x128xf32, #tpu.memory_space<vmem>>, vector<1x16xf32>,
    %swap3A_481 = vector.shape_cast %swap3A_480 : vector<1x16xf32> to vector<16xf32>
    %swap3A_482 = vector.shape_cast %exp3A_476 : vector<16xf32> to vector<1x16xf32>
    tpu.vector_store %arg15[%swap3A_478, %swap3A_479], %swap3A_482 {strides = array<i32>} : memref<4x128xf32, #tpu.memory_space<vmem>>, vector<1x16xf32>,
    %get3A_483 = arith.constant 1 : i32
    %get3A_484 = arith.index_cast %get3A_483 : i32 to index
    %get3A_485 = arith.constant 16 : index
    %get3A_486 = tpu.vector_load %arg11[%get3A_484, %get3A_485] {strides = array<i32>} : memref<4x128xi32, #tpu.memory_space<vmem>>, vector<1x16xi32>,
    %get3A_487 = vector.shape_cast %get3A_486 : vector<1x16xi32> to vector<16xi32>
    %lt3A_488 = arith.constant 0 : i32
    %lt3A_489 = vector.broadcast %lt3A_488 : i32 to vector<16xi32>
    %lt3A_490 = arith.cmpi slt, %get3A_487, %lt3A_489 : vector<16xi32>
    %add3A_491 = arith.constant 16 : i32
    %add3A_492 = vector.broadcast %add3A_491 : i32 to vector<16xi32>
    %add3A_493 = arith.addi %get3A_487, %add3A_492 : vector<16xi32>
    %select_n3A_494 = arith.select %lt3A_490, %add3A_493, %get3A_487 : vector<16xi1>, vector<16xi32>
    %broadcast_in_dim3A_495 = vector.shape_cast %select_n3A_494 : vector<16xi32> to vector<16x1xi32>
    %gather3A_496 = vector.shape_cast %broadcast_in_dim3A_495 : vector<16x1xi32> to vector<16xi32>
    %gather3A_497 = tpu.dynamic_gather %get3A_128[%gather3A_496] in [0] : vector<16xf32>, vector<16xi32> -> vector<16xf32>
    %get3A_498 = arith.constant 1 : i32
    %get3A_499 = arith.index_cast %get3A_498 : i32 to index
    %get3A_500 = arith.constant 16 : index
    %get3A_501 = tpu.vector_load %arg12[%get3A_499, %get3A_500] {strides = array<i32>} : memref<4x128xf32, #tpu.memory_space<vmem>>, vector<1x16xf32>,
    %get3A_502 = vector.shape_cast %get3A_501 : vector<1x16xf32> to vector<16xf32>
    %get3A_503 = arith.constant 1 : i32
    %get3A_504 = arith.index_cast %get3A_503 : i32 to index
    %get3A_505 = arith.constant 16 : index
    %get3A_506 = tpu.vector_load %arg13[%get3A_504, %get3A_505] {strides = array<i32>} : memref<4x128xf32, #tpu.memory_space<vmem>>, vector<1x16xf32>,
    %get3A_507 = vector.shape_cast %get3A_506 : vector<1x16xf32> to vector<16xf32>
    %add3A_508 = arith.addf %get3A_502, %get3A_507 : vector<16xf32>
    %add3A_509 = arith.addf %add3A_508, %gather3A_497 : vector<16xf32>
    %exp3A_510 = math.exp %add3A_509 : vector<16xf32>
    %swap3A_511 = arith.constant 1 : i32
    %swap3A_512 = arith.index_cast %swap3A_511 : i32 to index
    %swap3A_513 = arith.constant 16 : index
    %swap3A_514 = tpu.vector_load %arg15[%swap3A_512, %swap3A_513] {strides = array<i32>} : memref<4x128xf32, #tpu.memory_space<vmem>>, vector<1x16xf32>,
    %swap3A_515 = vector.shape_cast %swap3A_514 : vector<1x16xf32> to vector<16xf32>
    %swap3A_516 = vector.shape_cast %exp3A_510 : vector<16xf32> to vector<1x16xf32>
    tpu.vector_store %arg15[%swap3A_512, %swap3A_513], %swap3A_516 {strides = array<i32>} : memref<4x128xf32, #tpu.memory_space<vmem>>, vector<1x16xf32>,
    %get3A_517 = arith.constant 1 : i32
    %get3A_518 = arith.index_cast %get3A_517 : i32 to index
    %get3A_519 = arith.constant 32 : index
    %get3A_520 = tpu.vector_load %arg11[%get3A_518, %get3A_519] {strides = array<i32>} : memref<4x128xi32, #tpu.memory_space<vmem>>, vector<1x16xi32>,
    %get3A_521 = vector.shape_cast %get3A_520 : vector<1x16xi32> to vector<16xi32>
    %lt3A_522 = arith.constant 0 : i32
    %lt3A_523 = vector.broadcast %lt3A_522 : i32 to vector<16xi32>
    %lt3A_524 = arith.cmpi slt, %get3A_521, %lt3A_523 : vector<16xi32>
    %add3A_525 = arith.constant 16 : i32
    %add3A_526 = vector.broadcast %add3A_525 : i32 to vector<16xi32>
    %add3A_527 = arith.addi %get3A_521, %add3A_526 : vector<16xi32>
    %select_n3A_528 = arith.select %lt3A_524, %add3A_527, %get3A_521 : vector<16xi1>, vector<16xi32>
    %broadcast_in_dim3A_529 = vector.shape_cast %select_n3A_528 : vector<16xi32> to vector<16x1xi32>
    %gather3A_530 = vector.shape_cast %broadcast_in_dim3A_529 : vector<16x1xi32> to vector<16xi32>
    %gather3A_531 = tpu.dynamic_gather %get3A_128[%gather3A_530] in [0] : vector<16xf32>, vector<16xi32> -> vector<16xf32>
    %get3A_532 = arith.constant 1 : i32
    %get3A_533 = arith.index_cast %get3A_532 : i32 to index
    %get3A_534 = arith.constant 32 : index
    %get3A_535 = tpu.vector_load %arg12[%get3A_533, %get3A_534] {strides = array<i32>} : memref<4x128xf32, #tpu.memory_space<vmem>>, vector<1x16xf32>,
    %get3A_536 = vector.shape_cast %get3A_535 : vector<1x16xf32> to vector<16xf32>
    %get3A_537 = arith.constant 1 : i32
    %get3A_538 = arith.index_cast %get3A_537 : i32 to index
    %get3A_539 = arith.constant 32 : index
    %get3A_540 = tpu.vector_load %arg13[%get3A_538, %get3A_539] {strides = array<i32>} : memref<4x128xf32, #tpu.memory_space<vmem>>, vector<1x16xf32>,
    %get3A_541 = vector.shape_cast %get3A_540 : vector<1x16xf32> to vector<16xf32>
    %add3A_542 = arith.addf %get3A_536, %get3A_541 : vector<16xf32>
    %add3A_543 = arith.addf %add3A_542, %gather3A_531 : vector<16xf32>
    %exp3A_544 = math.exp %add3A_543 : vector<16xf32>
    %swap3A_545 = arith.constant 1 : i32
    %swap3A_546 = arith.index_cast %swap3A_545 : i32 to index
    %swap3A_547 = arith.constant 32 : index
    %swap3A_548 = tpu.vector_load %arg15[%swap3A_546, %swap3A_547] {strides = array<i32>} : memref<4x128xf32, #tpu.memory_space<vmem>>, vector<1x16xf32>,
    %swap3A_549 = vector.shape_cast %swap3A_548 : vector<1x16xf32> to vector<16xf32>
    %swap3A_550 = vector.shape_cast %exp3A_544 : vector<16xf32> to vector<1x16xf32>
    tpu.vector_store %arg15[%swap3A_546, %swap3A_547], %swap3A_550 {strides = array<i32>} : memref<4x128xf32, #tpu.memory_space<vmem>>, vector<1x16xf32>,
    %get3A_551 = arith.constant 1 : i32
    %get3A_552 = arith.index_cast %get3A_551 : i32 to index
    %get3A_553 = arith.constant 48 : index
    %get3A_554 = tpu.vector_load %arg11[%get3A_552, %get3A_553] {strides = array<i32>} : memref<4x128xi32, #tpu.memory_space<vmem>>, vector<1x16xi32>,
    %get3A_555 = vector.shape_cast %get3A_554 : vector<1x16xi32> to vector<16xi32>
    %lt3A_556 = arith.constant 0 : i32
    %lt3A_557 = vector.broadcast %lt3A_556 : i32 to vector<16xi32>
    %lt3A_558 = arith.cmpi slt, %get3A_555, %lt3A_557 : vector<16xi32>
    %add3A_559 = arith.constant 16 : i32
    %add3A_560 = vector.broadcast %add3A_559 : i32 to vector<16xi32>
    %add3A_561 = arith.addi %get3A_555, %add3A_560 : vector<16xi32>
    %select_n3A_562 = arith.select %lt3A_558, %add3A_561, %get3A_555 : vector<16xi1>, vector<16xi32>
    %broadcast_in_dim3A_563 = vector.shape_cast %select_n3A_562 : vector<16xi32> to vector<16x1xi32>
    %gather3A_564 = vector.shape_cast %broadcast_in_dim3A_563 : vector<16x1xi32> to vector<16xi32>
    %gather3A_565 = tpu.dynamic_gather %get3A_128[%gather3A_564] in [0] : vector<16xf32>, vector<16xi32> -> vector<16xf32>
    %get3A_566 = arith.constant 1 : i32
    %get3A_567 = arith.index_cast %get3A_566 : i32 to index
    %get3A_568 = arith.constant 48 : index
    %get3A_569 = tpu.vector_load %arg12[%get3A_567, %get3A_568] {strides = array<i32>} : memref<4x128xf32, #tpu.memory_space<vmem>>, vector<1x16xf32>,
    %get3A_570 = vector.shape_cast %get3A_569 : vector<1x16xf32> to vector<16xf32>
    %get3A_571 = arith.constant 1 : i32
    %get3A_572 = arith.index_cast %get3A_571 : i32 to index
    %get3A_573 = arith.constant 48 : index
    %get3A_574 = tpu.vector_load %arg13[%get3A_572, %get3A_573] {strides = array<i32>} : memref<4x128xf32, #tpu.memory_space<vmem>>, vector<1x16xf32>,
    %get3A_575 = vector.shape_cast %get3A_574 : vector<1x16xf32> to vector<16xf32>
    %add3A_576 = arith.addf %get3A_570, %get3A_575 : vector<16xf32>
    %add3A_577 = arith.addf %add3A_576, %gather3A_565 : vector<16xf32>
    %exp3A_578 = math.exp %add3A_577 : vector<16xf32>
    %swap3A_579 = arith.constant 1 : i32
    %swap3A_580 = arith.index_cast %swap3A_579 : i32 to index
    %swap3A_581 = arith.constant 48 : index
    %swap3A_582 = tpu.vector_load %arg15[%swap3A_580, %swap3A_581] {strides = array<i32>} : memref<4x128xf32, #tpu.memory_space<vmem>>, vector<1x16xf32>,
    %swap3A_583 = vector.shape_cast %swap3A_582 : vector<1x16xf32> to vector<16xf32>
    %swap3A_584 = vector.shape_cast %exp3A_578 : vector<16xf32> to vector<1x16xf32>
    tpu.vector_store %arg15[%swap3A_580, %swap3A_581], %swap3A_584 {strides = array<i32>} : memref<4x128xf32, #tpu.memory_space<vmem>>, vector<1x16xf32>,
    %get3A_585 = arith.constant 1 : i32
    %get3A_586 = arith.index_cast %get3A_585 : i32 to index
    %get3A_587 = arith.constant 64 : index
    %get3A_588 = tpu.vector_load %arg11[%get3A_586, %get3A_587] {strides = array<i32>} : memref<4x128xi32, #tpu.memory_space<vmem>>, vector<1x16xi32>,
    %get3A_589 = vector.shape_cast %get3A_588 : vector<1x16xi32> to vector<16xi32>
    %lt3A_590 = arith.constant 0 : i32
    %lt3A_591 = vector.broadcast %lt3A_590 : i32 to vector<16xi32>
    %lt3A_592 = arith.cmpi slt, %get3A_589, %lt3A_591 : vector<16xi32>
    %add3A_593 = arith.constant 16 : i32
    %add3A_594 = vector.broadcast %add3A_593 : i32 to vector<16xi32>
    %add3A_595 = arith.addi %get3A_589, %add3A_594 : vector<16xi32>
    %select_n3A_596 = arith.select %lt3A_592, %add3A_595, %get3A_589 : vector<16xi1>, vector<16xi32>
    %broadcast_in_dim3A_597 = vector.shape_cast %select_n3A_596 : vector<16xi32> to vector<16x1xi32>
    %gather3A_598 = vector.shape_cast %broadcast_in_dim3A_597 : vector<16x1xi32> to vector<16xi32>
    %gather3A_599 = tpu.dynamic_gather %get3A_128[%gather3A_598] in [0] : vector<16xf32>, vector<16xi32> -> vector<16xf32>
    %get3A_600 = arith.constant 1 : i32
    %get3A_601 = arith.index_cast %get3A_600 : i32 to index
    %get3A_602 = arith.constant 64 : index
    %get3A_603 = tpu.vector_load %arg12[%get3A_601, %get3A_602] {strides = array<i32>} : memref<4x128xf32, #tpu.memory_space<vmem>>, vector<1x16xf32>,
    %get3A_604 = vector.shape_cast %get3A_603 : vector<1x16xf32> to vector<16xf32>
    %get3A_605 = arith.constant 1 : i32
    %get3A_606 = arith.index_cast %get3A_605 : i32 to index
    %get3A_607 = arith.constant 64 : index
    %get3A_608 = tpu.vector_load %arg13[%get3A_606, %get3A_607] {strides = array<i32>} : memref<4x128xf32, #tpu.memory_space<vmem>>, vector<1x16xf32>,
    %get3A_609 = vector.shape_cast %get3A_608 : vector<1x16xf32> to vector<16xf32>
    %add3A_610 = arith.addf %get3A_604, %get3A_609 : vector<16xf32>
    %add3A_611 = arith.addf %add3A_610, %gather3A_599 : vector<16xf32>
    %exp3A_612 = math.exp %add3A_611 : vector<16xf32>
    %swap3A_613 = arith.constant 1 : i32
    %swap3A_614 = arith.index_cast %swap3A_613 : i32 to index
    %swap3A_615 = arith.constant 64 : index
    %swap3A_616 = tpu.vector_load %arg15[%swap3A_614, %swap3A_615] {strides = array<i32>} : memref<4x128xf32, #tpu.memory_space<vmem>>, vector<1x16xf32>,
    %swap3A_617 = vector.shape_cast %swap3A_616 : vector<1x16xf32> to vector<16xf32>
    %swap3A_618 = vector.shape_cast %exp3A_612 : vector<16xf32> to vector<1x16xf32>
    tpu.vector_store %arg15[%swap3A_614, %swap3A_615], %swap3A_618 {strides = array<i32>} : memref<4x128xf32, #tpu.memory_space<vmem>>, vector<1x16xf32>,
    %get3A_619 = arith.constant 1 : i32
    %get3A_620 = arith.index_cast %get3A_619 : i32 to index
    %get3A_621 = arith.constant 80 : index
    %get3A_622 = tpu.vector_load %arg11[%get3A_620, %get3A_621] {strides = array<i32>} : memref<4x128xi32, #tpu.memory_space<vmem>>, vector<1x16xi32>,
    %get3A_623 = vector.shape_cast %get3A_622 : vector<1x16xi32> to vector<16xi32>
    %lt3A_624 = arith.constant 0 : i32
    %lt3A_625 = vector.broadcast %lt3A_624 : i32 to vector<16xi32>
    %lt3A_626 = arith.cmpi slt, %get3A_623, %lt3A_625 : vector<16xi32>
    %add3A_627 = arith.constant 16 : i32
    %add3A_628 = vector.broadcast %add3A_627 : i32 to vector<16xi32>
    %add3A_629 = arith.addi %get3A_623, %add3A_628 : vector<16xi32>
    %select_n3A_630 = arith.select %lt3A_626, %add3A_629, %get3A_623 : vector<16xi1>, vector<16xi32>
    %broadcast_in_dim3A_631 = vector.shape_cast %select_n3A_630 : vector<16xi32> to vector<16x1xi32>
    %gather3A_632 = vector.shape_cast %broadcast_in_dim3A_631 : vector<16x1xi32> to vector<16xi32>
    %gather3A_633 = tpu.dynamic_gather %get3A_128[%gather3A_632] in [0] : vector<16xf32>, vector<16xi32> -> vector<16xf32>
    %get3A_634 = arith.constant 1 : i32
    %get3A_635 = arith.index_cast %get3A_634 : i32 to index
    %get3A_636 = arith.constant 80 : index
    %get3A_637 = tpu.vector_load %arg12[%get3A_635, %get3A_636] {strides = array<i32>} : memref<4x128xf32, #tpu.memory_space<vmem>>, vector<1x16xf32>,
    %get3A_638 = vector.shape_cast %get3A_637 : vector<1x16xf32> to vector<16xf32>
    %get3A_639 = arith.constant 1 : i32
    %get3A_640 = arith.index_cast %get3A_639 : i32 to index
    %get3A_641 = arith.constant 80 : index
    %get3A_642 = tpu.vector_load %arg13[%get3A_640, %get3A_641] {strides = array<i32>} : memref<4x128xf32, #tpu.memory_space<vmem>>, vector<1x16xf32>,
    %get3A_643 = vector.shape_cast %get3A_642 : vector<1x16xf32> to vector<16xf32>
    %add3A_644 = arith.addf %get3A_638, %get3A_643 : vector<16xf32>
    %add3A_645 = arith.addf %add3A_644, %gather3A_633 : vector<16xf32>
    %exp3A_646 = math.exp %add3A_645 : vector<16xf32>
    %swap3A_647 = arith.constant 1 : i32
    %swap3A_648 = arith.index_cast %swap3A_647 : i32 to index
    %swap3A_649 = arith.constant 80 : index
    %swap3A_650 = tpu.vector_load %arg15[%swap3A_648, %swap3A_649] {strides = array<i32>} : memref<4x128xf32, #tpu.memory_space<vmem>>, vector<1x16xf32>,
    %swap3A_651 = vector.shape_cast %swap3A_650 : vector<1x16xf32> to vector<16xf32>
    %swap3A_652 = vector.shape_cast %exp3A_646 : vector<16xf32> to vector<1x16xf32>
    tpu.vector_store %arg15[%swap3A_648, %swap3A_649], %swap3A_652 {strides = array<i32>} : memref<4x128xf32, #tpu.memory_space<vmem>>, vector<1x16xf32>,
    %get3A_653 = arith.constant 1 : i32
    %get3A_654 = arith.index_cast %get3A_653 : i32 to index
    %get3A_655 = arith.constant 96 : index
    %get3A_656 = tpu.vector_load %arg11[%get3A_654, %get3A_655] {strides = array<i32>} : memref<4x128xi32, #tpu.memory_space<vmem>>, vector<1x16xi32>,
    %get3A_657 = vector.shape_cast %get3A_656 : vector<1x16xi32> to vector<16xi32>
    %lt3A_658 = arith.constant 0 : i32
    %lt3A_659 = vector.broadcast %lt3A_658 : i32 to vector<16xi32>
    %lt3A_660 = arith.cmpi slt, %get3A_657, %lt3A_659 : vector<16xi32>
    %add3A_661 = arith.constant 16 : i32
    %add3A_662 = vector.broadcast %add3A_661 : i32 to vector<16xi32>
    %add3A_663 = arith.addi %get3A_657, %add3A_662 : vector<16xi32>
    %select_n3A_664 = arith.select %lt3A_660, %add3A_663, %get3A_657 : vector<16xi1>, vector<16xi32>
    %broadcast_in_dim3A_665 = vector.shape_cast %select_n3A_664 : vector<16xi32> to vector<16x1xi32>
    %gather3A_666 = vector.shape_cast %broadcast_in_dim3A_665 : vector<16x1xi32> to vector<16xi32>
    %gather3A_667 = tpu.dynamic_gather %get3A_128[%gather3A_666] in [0] : vector<16xf32>, vector<16xi32> -> vector<16xf32>
    %get3A_668 = arith.constant 1 : i32
    %get3A_669 = arith.index_cast %get3A_668 : i32 to index
    %get3A_670 = arith.constant 96 : index
    %get3A_671 = tpu.vector_load %arg12[%get3A_669, %get3A_670] {strides = array<i32>} : memref<4x128xf32, #tpu.memory_space<vmem>>, vector<1x16xf32>,
    %get3A_672 = vector.shape_cast %get3A_671 : vector<1x16xf32> to vector<16xf32>
    %get3A_673 = arith.constant 1 : i32
    %get3A_674 = arith.index_cast %get3A_673 : i32 to index
    %get3A_675 = arith.constant 96 : index
    %get3A_676 = tpu.vector_load %arg13[%get3A_674, %get3A_675] {strides = array<i32>} : memref<4x128xf32, #tpu.memory_space<vmem>>, vector<1x16xf32>,
    %get3A_677 = vector.shape_cast %get3A_676 : vector<1x16xf32> to vector<16xf32>
    %add3A_678 = arith.addf %get3A_672, %get3A_677 : vector<16xf32>
    %add3A_679 = arith.addf %add3A_678, %gather3A_667 : vector<16xf32>
    %exp3A_680 = math.exp %add3A_679 : vector<16xf32>
    %swap3A_681 = arith.constant 1 : i32
    %swap3A_682 = arith.index_cast %swap3A_681 : i32 to index
    %swap3A_683 = arith.constant 96 : index
    %swap3A_684 = tpu.vector_load %arg15[%swap3A_682, %swap3A_683] {strides = array<i32>} : memref<4x128xf32, #tpu.memory_space<vmem>>, vector<1x16xf32>,
    %swap3A_685 = vector.shape_cast %swap3A_684 : vector<1x16xf32> to vector<16xf32>
    %swap3A_686 = vector.shape_cast %exp3A_680 : vector<16xf32> to vector<1x16xf32>
    tpu.vector_store %arg15[%swap3A_682, %swap3A_683], %swap3A_686 {strides = array<i32>} : memref<4x128xf32, #tpu.memory_space<vmem>>, vector<1x16xf32>,
    %get3A_687 = arith.constant 1 : i32
    %get3A_688 = arith.index_cast %get3A_687 : i32 to index
    %get3A_689 = arith.constant 112 : index
    %get3A_690 = tpu.vector_load %arg11[%get3A_688, %get3A_689] {strides = array<i32>} : memref<4x128xi32, #tpu.memory_space<vmem>>, vector<1x16xi32>,
    %get3A_691 = vector.shape_cast %get3A_690 : vector<1x16xi32> to vector<16xi32>
    %lt3A_692 = arith.constant 0 : i32
    %lt3A_693 = vector.broadcast %lt3A_692 : i32 to vector<16xi32>
    %lt3A_694 = arith.cmpi slt, %get3A_691, %lt3A_693 : vector<16xi32>
    %add3A_695 = arith.constant 16 : i32
    %add3A_696 = vector.broadcast %add3A_695 : i32 to vector<16xi32>
    %add3A_697 = arith.addi %get3A_691, %add3A_696 : vector<16xi32>
    %select_n3A_698 = arith.select %lt3A_694, %add3A_697, %get3A_691 : vector<16xi1>, vector<16xi32>
    %broadcast_in_dim3A_699 = vector.shape_cast %select_n3A_698 : vector<16xi32> to vector<16x1xi32>
    %gather3A_700 = vector.shape_cast %broadcast_in_dim3A_699 : vector<16x1xi32> to vector<16xi32>
    %gather3A_701 = tpu.dynamic_gather %get3A_128[%gather3A_700] in [0] : vector<16xf32>, vector<16xi32> -> vector<16xf32>
    %get3A_702 = arith.constant 1 : i32
    %get3A_703 = arith.index_cast %get3A_702 : i32 to index
    %get3A_704 = arith.constant 112 : index
    %get3A_705 = tpu.vector_load %arg12[%get3A_703, %get3A_704] {strides = array<i32>} : memref<4x128xf32, #tpu.memory_space<vmem>>, vector<1x16xf32>,
    %get3A_706 = vector.shape_cast %get3A_705 : vector<1x16xf32> to vector<16xf32>
    %get3A_707 = arith.constant 1 : i32
    %get3A_708 = arith.index_cast %get3A_707 : i32 to index
    %get3A_709 = arith.constant 112 : index
    %get3A_710 = tpu.vector_load %arg13[%get3A_708, %get3A_709] {strides = array<i32>} : memref<4x128xf32, #tpu.memory_space<vmem>>, vector<1x16xf32>,
    %get3A_711 = vector.shape_cast %get3A_710 : vector<1x16xf32> to vector<16xf32>
    %add3A_712 = arith.addf %get3A_706, %get3A_711 : vector<16xf32>
    %add3A_713 = arith.addf %add3A_712, %gather3A_701 : vector<16xf32>
    %exp3A_714 = math.exp %add3A_713 : vector<16xf32>
    %swap3A_715 = arith.constant 1 : i32
    %swap3A_716 = arith.index_cast %swap3A_715 : i32 to index
    %swap3A_717 = arith.constant 112 : index
    %swap3A_718 = tpu.vector_load %arg15[%swap3A_716, %swap3A_717] {strides = array<i32>} : memref<4x128xf32, #tpu.memory_space<vmem>>, vector<1x16xf32>,
    %swap3A_719 = vector.shape_cast %swap3A_718 : vector<1x16xf32> to vector<16xf32>
    %swap3A_720 = vector.shape_cast %exp3A_714 : vector<16xf32> to vector<1x16xf32>
    tpu.vector_store %arg15[%swap3A_716, %swap3A_717], %swap3A_720 {strides = array<i32>} : memref<4x128xf32, #tpu.memory_space<vmem>>, vector<1x16xf32>,
    %dma_start3A_721 = arith.constant 1 : i32
    %dma_start3A_722 = arith.constant 1 : i32
    %dma_start3A_723 = arith.constant 0 : i32
    %dma_start3A_724 = tpu.memref_slice %arg15[%dma_start3A_721, %dma_start3A_723] : memref<4x128xf32, #tpu.memory_space<vmem>> -> memref<1x128xf32, #tpu.memory_space<vmem>>
    %dma_start3A_725 = tpu.memref_squeeze %dma_start3A_724 : memref<1x128xf32, #tpu.memory_space<vmem>> -> memref<128xf32, #tpu.memory_space<vmem>>
    %dma_start3A_726 = arith.constant 0 : i32
    %dma_start3A_727 = tpu.memref_slice %arg8[%add3A, %dma_start3A_722, %dma_start3A_726] : memref<32x4x128xf32, #tpu.memory_space<hbm>> -> memref<1x1x128xf32, #tpu.memory_space<hbm>>
    %dma_start3A_728 = tpu.memref_squeeze %dma_start3A_727 : memref<1x1x128xf32, #tpu.memory_space<hbm>> -> memref<128xf32, #tpu.memory_space<hbm>>
    %dma_start3A_729 = arith.constant 0 : i32
    %dma_start3A_730 = tpu.memref_slice %arg8[%add3A, %dma_start3A_722, %dma_start3A_729] : memref<32x4x128xf32, #tpu.memory_space<hbm>> -> memref<1x1x128xf32, #tpu.memory_space<hbm>>
    %dma_start3A_731 = tpu.memref_squeeze %dma_start3A_730 : memref<1x1x128xf32, #tpu.memory_space<hbm>> -> memref<128xf32, #tpu.memory_space<hbm>>
    %dma_start3A_732 = arith.constant 0 : i32
    %dma_start3A_733 = tpu.memref_slice %arg15[%dma_start3A_721, %dma_start3A_732] : memref<4x128xf32, #tpu.memory_space<vmem>> -> memref<1x128xf32, #tpu.memory_space<vmem>>
    %dma_start3A_734 = tpu.memref_squeeze %dma_start3A_733 : memref<1x128xf32, #tpu.memory_space<vmem>> -> memref<128xf32, #tpu.memory_space<vmem>>
    tpu.enqueue_dma source(%dma_start3A_734 : memref<128xf32, #tpu.memory_space<vmem>>) target(%dma_start3A_731 : memref<128xf32, #tpu.memory_space<hbm>>) target_semaphore(%arg22 : memref<!tpu.dma_semaphore, #tpu.memory_space<semaphore_mem>>)
    %dma_wait3A_735 = arith.constant 2 : i32
    %dma_wait3A_736 = arith.constant 2 : i32
    %dma_wait3A_737 = arith.constant 0 : i32
    %dma_wait3A_738 = tpu.memref_slice %arg12[%dma_wait3A_736, %dma_wait3A_737] : memref<4x128xf32, #tpu.memory_space<vmem>> -> memref<1x128xf32, #tpu.memory_space<vmem>>
    %dma_wait3A_739 = tpu.memref_squeeze %dma_wait3A_738 : memref<1x128xf32, #tpu.memory_space<vmem>> -> memref<128xf32, #tpu.memory_space<vmem>>
    %dma_wait3A_740 = arith.constant 0 : i32
    %dma_wait3A_741 = tpu.memref_slice %arg9[%dma_wait3A_735, %dma_wait3A_740] : memref<4x128xi32, #tpu.memory_space<vmem>> -> memref<1x128xi32, #tpu.memory_space<vmem>>
    %dma_wait3A_742 = tpu.memref_squeeze %dma_wait3A_741 : memref<1x128xi32, #tpu.memory_space<vmem>> -> memref<128xi32, #tpu.memory_space<vmem>>
    %dma_wait3A_743 = arith.constant 0 : i32
    %dma_wait3A_744 = tpu.memref_slice %arg5[%dma_wait3A_743] : memref<1000000xf32, #tpu.memory_space<hbm>> -> memref<1000000xf32, #tpu.memory_space<hbm>>
    tpu.wait_indirect_dma semaphore(%arg20 : memref<!tpu.dma_semaphore, #tpu.memory_space<semaphore_mem>>) src(%dma_wait3A_744 : memref<1000000xf32, #tpu.memory_space<hbm>>) dst(%dma_wait3A_739 : memref<128xf32, #tpu.memory_space<vmem>>)
    %dma_wait3A_745 = arith.constant 2 : i32
    %dma_wait3A_746 = arith.constant 2 : i32
    %dma_wait3A_747 = arith.constant 0 : i32
    %dma_wait3A_748 = tpu.memref_slice %arg13[%dma_wait3A_746, %dma_wait3A_747] : memref<4x128xf32, #tpu.memory_space<vmem>> -> memref<1x128xf32, #tpu.memory_space<vmem>>
    %dma_wait3A_749 = tpu.memref_squeeze %dma_wait3A_748 : memref<1x128xf32, #tpu.memory_space<vmem>> -> memref<128xf32, #tpu.memory_space<vmem>>
    %dma_wait3A_750 = arith.constant 0 : i32
    %dma_wait3A_751 = tpu.memref_slice %arg10[%dma_wait3A_745, %dma_wait3A_750] : memref<4x128xi32, #tpu.memory_space<vmem>> -> memref<1x128xi32, #tpu.memory_space<vmem>>
    %dma_wait3A_752 = tpu.memref_squeeze %dma_wait3A_751 : memref<1x128xi32, #tpu.memory_space<vmem>> -> memref<128xi32, #tpu.memory_space<vmem>>
    %dma_wait3A_753 = arith.constant 0 : i32
    %dma_wait3A_754 = tpu.memref_slice %arg6[%dma_wait3A_753] : memref<1000000xf32, #tpu.memory_space<hbm>> -> memref<1000000xf32, #tpu.memory_space<hbm>>
    tpu.wait_indirect_dma semaphore(%arg20 : memref<!tpu.dma_semaphore, #tpu.memory_space<semaphore_mem>>) src(%dma_wait3A_754 : memref<1000000xf32, #tpu.memory_space<hbm>>) dst(%dma_wait3A_749 : memref<128xf32, #tpu.memory_space<vmem>>)
    %get3A_755 = arith.constant 2 : i32
    %get3A_756 = arith.index_cast %get3A_755 : i32 to index
    %get3A_757 = arith.constant 0 : index
    %get3A_758 = tpu.vector_load %arg11[%get3A_756, %get3A_757] {strides = array<i32>} : memref<4x128xi32, #tpu.memory_space<vmem>>, vector<1x16xi32>,
    %get3A_759 = vector.shape_cast %get3A_758 : vector<1x16xi32> to vector<16xi32>
    %lt3A_760 = arith.constant 0 : i32
    %lt3A_761 = vector.broadcast %lt3A_760 : i32 to vector<16xi32>
    %lt3A_762 = arith.cmpi slt, %get3A_759, %lt3A_761 : vector<16xi32>
    %add3A_763 = arith.constant 16 : i32
    %add3A_764 = vector.broadcast %add3A_763 : i32 to vector<16xi32>
    %add3A_765 = arith.addi %get3A_759, %add3A_764 : vector<16xi32>
    %select_n3A_766 = arith.select %lt3A_762, %add3A_765, %get3A_759 : vector<16xi1>, vector<16xi32>
    %broadcast_in_dim3A_767 = vector.shape_cast %select_n3A_766 : vector<16xi32> to vector<16x1xi32>
    %gather3A_768 = vector.shape_cast %broadcast_in_dim3A_767 : vector<16x1xi32> to vector<16xi32>
    %gather3A_769 = tpu.dynamic_gather %get3A_128[%gather3A_768] in [0] : vector<16xf32>, vector<16xi32> -> vector<16xf32>
    %get3A_770 = arith.constant 2 : i32
    %get3A_771 = arith.index_cast %get3A_770 : i32 to index
    %get3A_772 = arith.constant 0 : index
    %get3A_773 = tpu.vector_load %arg12[%get3A_771, %get3A_772] {strides = array<i32>} : memref<4x128xf32, #tpu.memory_space<vmem>>, vector<1x16xf32>,
    %get3A_774 = vector.shape_cast %get3A_773 : vector<1x16xf32> to vector<16xf32>
    %get3A_775 = arith.constant 2 : i32
    %get3A_776 = arith.index_cast %get3A_775 : i32 to index
    %get3A_777 = arith.constant 0 : index
    %get3A_778 = tpu.vector_load %arg13[%get3A_776, %get3A_777] {strides = array<i32>} : memref<4x128xf32, #tpu.memory_space<vmem>>, vector<1x16xf32>,
    %get3A_779 = vector.shape_cast %get3A_778 : vector<1x16xf32> to vector<16xf32>
    %add3A_780 = arith.addf %get3A_774, %get3A_779 : vector<16xf32>
    %add3A_781 = arith.addf %add3A_780, %gather3A_769 : vector<16xf32>
    %exp3A_782 = math.exp %add3A_781 : vector<16xf32>
    %swap3A_783 = arith.constant 2 : i32
    %swap3A_784 = arith.index_cast %swap3A_783 : i32 to index
    %swap3A_785 = arith.constant 0 : index
    %swap3A_786 = tpu.vector_load %arg15[%swap3A_784, %swap3A_785] {strides = array<i32>} : memref<4x128xf32, #tpu.memory_space<vmem>>, vector<1x16xf32>,
    %swap3A_787 = vector.shape_cast %swap3A_786 : vector<1x16xf32> to vector<16xf32>
    %swap3A_788 = vector.shape_cast %exp3A_782 : vector<16xf32> to vector<1x16xf32>
    tpu.vector_store %arg15[%swap3A_784, %swap3A_785], %swap3A_788 {strides = array<i32>} : memref<4x128xf32, #tpu.memory_space<vmem>>, vector<1x16xf32>,
    %get3A_789 = arith.constant 2 : i32
    %get3A_790 = arith.index_cast %get3A_789 : i32 to index
    %get3A_791 = arith.constant 16 : index
    %get3A_792 = tpu.vector_load %arg11[%get3A_790, %get3A_791] {strides = array<i32>} : memref<4x128xi32, #tpu.memory_space<vmem>>, vector<1x16xi32>,
    %get3A_793 = vector.shape_cast %get3A_792 : vector<1x16xi32> to vector<16xi32>
    %lt3A_794 = arith.constant 0 : i32
    %lt3A_795 = vector.broadcast %lt3A_794 : i32 to vector<16xi32>
    %lt3A_796 = arith.cmpi slt, %get3A_793, %lt3A_795 : vector<16xi32>
    %add3A_797 = arith.constant 16 : i32
    %add3A_798 = vector.broadcast %add3A_797 : i32 to vector<16xi32>
    %add3A_799 = arith.addi %get3A_793, %add3A_798 : vector<16xi32>
    %select_n3A_800 = arith.select %lt3A_796, %add3A_799, %get3A_793 : vector<16xi1>, vector<16xi32>
    %broadcast_in_dim3A_801 = vector.shape_cast %select_n3A_800 : vector<16xi32> to vector<16x1xi32>
    %gather3A_802 = vector.shape_cast %broadcast_in_dim3A_801 : vector<16x1xi32> to vector<16xi32>
    %gather3A_803 = tpu.dynamic_gather %get3A_128[%gather3A_802] in [0] : vector<16xf32>, vector<16xi32> -> vector<16xf32>
    %get3A_804 = arith.constant 2 : i32
    %get3A_805 = arith.index_cast %get3A_804 : i32 to index
    %get3A_806 = arith.constant 16 : index
    %get3A_807 = tpu.vector_load %arg12[%get3A_805, %get3A_806] {strides = array<i32>} : memref<4x128xf32, #tpu.memory_space<vmem>>, vector<1x16xf32>,
    %get3A_808 = vector.shape_cast %get3A_807 : vector<1x16xf32> to vector<16xf32>
    %get3A_809 = arith.constant 2 : i32
    %get3A_810 = arith.index_cast %get3A_809 : i32 to index
    %get3A_811 = arith.constant 16 : index
    %get3A_812 = tpu.vector_load %arg13[%get3A_810, %get3A_811] {strides = array<i32>} : memref<4x128xf32, #tpu.memory_space<vmem>>, vector<1x16xf32>,
    %get3A_813 = vector.shape_cast %get3A_812 : vector<1x16xf32> to vector<16xf32>
    %add3A_814 = arith.addf %get3A_808, %get3A_813 : vector<16xf32>
    %add3A_815 = arith.addf %add3A_814, %gather3A_803 : vector<16xf32>
    %exp3A_816 = math.exp %add3A_815 : vector<16xf32>
    %swap3A_817 = arith.constant 2 : i32
    %swap3A_818 = arith.index_cast %swap3A_817 : i32 to index
    %swap3A_819 = arith.constant 16 : index
    %swap3A_820 = tpu.vector_load %arg15[%swap3A_818, %swap3A_819] {strides = array<i32>} : memref<4x128xf32, #tpu.memory_space<vmem>>, vector<1x16xf32>,
    %swap3A_821 = vector.shape_cast %swap3A_820 : vector<1x16xf32> to vector<16xf32>
    %swap3A_822 = vector.shape_cast %exp3A_816 : vector<16xf32> to vector<1x16xf32>
    tpu.vector_store %arg15[%swap3A_818, %swap3A_819], %swap3A_822 {strides = array<i32>} : memref<4x128xf32, #tpu.memory_space<vmem>>, vector<1x16xf32>,
    %get3A_823 = arith.constant 2 : i32
    %get3A_824 = arith.index_cast %get3A_823 : i32 to index
    %get3A_825 = arith.constant 32 : index
    %get3A_826 = tpu.vector_load %arg11[%get3A_824, %get3A_825] {strides = array<i32>} : memref<4x128xi32, #tpu.memory_space<vmem>>, vector<1x16xi32>,
    %get3A_827 = vector.shape_cast %get3A_826 : vector<1x16xi32> to vector<16xi32>
    %lt3A_828 = arith.constant 0 : i32
    %lt3A_829 = vector.broadcast %lt3A_828 : i32 to vector<16xi32>
    %lt3A_830 = arith.cmpi slt, %get3A_827, %lt3A_829 : vector<16xi32>
    %add3A_831 = arith.constant 16 : i32
    %add3A_832 = vector.broadcast %add3A_831 : i32 to vector<16xi32>
    %add3A_833 = arith.addi %get3A_827, %add3A_832 : vector<16xi32>
    %select_n3A_834 = arith.select %lt3A_830, %add3A_833, %get3A_827 : vector<16xi1>, vector<16xi32>
    %broadcast_in_dim3A_835 = vector.shape_cast %select_n3A_834 : vector<16xi32> to vector<16x1xi32>
    %gather3A_836 = vector.shape_cast %broadcast_in_dim3A_835 : vector<16x1xi32> to vector<16xi32>
    %gather3A_837 = tpu.dynamic_gather %get3A_128[%gather3A_836] in [0] : vector<16xf32>, vector<16xi32> -> vector<16xf32>
    %get3A_838 = arith.constant 2 : i32
    %get3A_839 = arith.index_cast %get3A_838 : i32 to index
    %get3A_840 = arith.constant 32 : index
    %get3A_841 = tpu.vector_load %arg12[%get3A_839, %get3A_840] {strides = array<i32>} : memref<4x128xf32, #tpu.memory_space<vmem>>, vector<1x16xf32>,
    %get3A_842 = vector.shape_cast %get3A_841 : vector<1x16xf32> to vector<16xf32>
    %get3A_843 = arith.constant 2 : i32
    %get3A_844 = arith.index_cast %get3A_843 : i32 to index
    %get3A_845 = arith.constant 32 : index
    %get3A_846 = tpu.vector_load %arg13[%get3A_844, %get3A_845] {strides = array<i32>} : memref<4x128xf32, #tpu.memory_space<vmem>>, vector<1x16xf32>,
    %get3A_847 = vector.shape_cast %get3A_846 : vector<1x16xf32> to vector<16xf32>
    %add3A_848 = arith.addf %get3A_842, %get3A_847 : vector<16xf32>
    %add3A_849 = arith.addf %add3A_848, %gather3A_837 : vector<16xf32>
    %exp3A_850 = math.exp %add3A_849 : vector<16xf32>
    %swap3A_851 = arith.constant 2 : i32
    %swap3A_852 = arith.index_cast %swap3A_851 : i32 to index
    %swap3A_853 = arith.constant 32 : index
    %swap3A_854 = tpu.vector_load %arg15[%swap3A_852, %swap3A_853] {strides = array<i32>} : memref<4x128xf32, #tpu.memory_space<vmem>>, vector<1x16xf32>,
    %swap3A_855 = vector.shape_cast %swap3A_854 : vector<1x16xf32> to vector<16xf32>
    %swap3A_856 = vector.shape_cast %exp3A_850 : vector<16xf32> to vector<1x16xf32>
    tpu.vector_store %arg15[%swap3A_852, %swap3A_853], %swap3A_856 {strides = array<i32>} : memref<4x128xf32, #tpu.memory_space<vmem>>, vector<1x16xf32>,
    %get3A_857 = arith.constant 2 : i32
    %get3A_858 = arith.index_cast %get3A_857 : i32 to index
    %get3A_859 = arith.constant 48 : index
    %get3A_860 = tpu.vector_load %arg11[%get3A_858, %get3A_859] {strides = array<i32>} : memref<4x128xi32, #tpu.memory_space<vmem>>, vector<1x16xi32>,
    %get3A_861 = vector.shape_cast %get3A_860 : vector<1x16xi32> to vector<16xi32>
    %lt3A_862 = arith.constant 0 : i32
    %lt3A_863 = vector.broadcast %lt3A_862 : i32 to vector<16xi32>
    %lt3A_864 = arith.cmpi slt, %get3A_861, %lt3A_863 : vector<16xi32>
    %add3A_865 = arith.constant 16 : i32
    %add3A_866 = vector.broadcast %add3A_865 : i32 to vector<16xi32>
    %add3A_867 = arith.addi %get3A_861, %add3A_866 : vector<16xi32>
    %select_n3A_868 = arith.select %lt3A_864, %add3A_867, %get3A_861 : vector<16xi1>, vector<16xi32>
    %broadcast_in_dim3A_869 = vector.shape_cast %select_n3A_868 : vector<16xi32> to vector<16x1xi32>
    %gather3A_870 = vector.shape_cast %broadcast_in_dim3A_869 : vector<16x1xi32> to vector<16xi32>
    %gather3A_871 = tpu.dynamic_gather %get3A_128[%gather3A_870] in [0] : vector<16xf32>, vector<16xi32> -> vector<16xf32>
    %get3A_872 = arith.constant 2 : i32
    %get3A_873 = arith.index_cast %get3A_872 : i32 to index
    %get3A_874 = arith.constant 48 : index
    %get3A_875 = tpu.vector_load %arg12[%get3A_873, %get3A_874] {strides = array<i32>} : memref<4x128xf32, #tpu.memory_space<vmem>>, vector<1x16xf32>,
    %get3A_876 = vector.shape_cast %get3A_875 : vector<1x16xf32> to vector<16xf32>
    %get3A_877 = arith.constant 2 : i32
    %get3A_878 = arith.index_cast %get3A_877 : i32 to index
    %get3A_879 = arith.constant 48 : index
    %get3A_880 = tpu.vector_load %arg13[%get3A_878, %get3A_879] {strides = array<i32>} : memref<4x128xf32, #tpu.memory_space<vmem>>, vector<1x16xf32>,
    %get3A_881 = vector.shape_cast %get3A_880 : vector<1x16xf32> to vector<16xf32>
    %add3A_882 = arith.addf %get3A_876, %get3A_881 : vector<16xf32>
    %add3A_883 = arith.addf %add3A_882, %gather3A_871 : vector<16xf32>
    %exp3A_884 = math.exp %add3A_883 : vector<16xf32>
    %swap3A_885 = arith.constant 2 : i32
    %swap3A_886 = arith.index_cast %swap3A_885 : i32 to index
    %swap3A_887 = arith.constant 48 : index
    %swap3A_888 = tpu.vector_load %arg15[%swap3A_886, %swap3A_887] {strides = array<i32>} : memref<4x128xf32, #tpu.memory_space<vmem>>, vector<1x16xf32>,
    %swap3A_889 = vector.shape_cast %swap3A_888 : vector<1x16xf32> to vector<16xf32>
    %swap3A_890 = vector.shape_cast %exp3A_884 : vector<16xf32> to vector<1x16xf32>
    tpu.vector_store %arg15[%swap3A_886, %swap3A_887], %swap3A_890 {strides = array<i32>} : memref<4x128xf32, #tpu.memory_space<vmem>>, vector<1x16xf32>,
    %get3A_891 = arith.constant 2 : i32
    %get3A_892 = arith.index_cast %get3A_891 : i32 to index
    %get3A_893 = arith.constant 64 : index
    %get3A_894 = tpu.vector_load %arg11[%get3A_892, %get3A_893] {strides = array<i32>} : memref<4x128xi32, #tpu.memory_space<vmem>>, vector<1x16xi32>,
    %get3A_895 = vector.shape_cast %get3A_894 : vector<1x16xi32> to vector<16xi32>
    %lt3A_896 = arith.constant 0 : i32
    %lt3A_897 = vector.broadcast %lt3A_896 : i32 to vector<16xi32>
    %lt3A_898 = arith.cmpi slt, %get3A_895, %lt3A_897 : vector<16xi32>
    %add3A_899 = arith.constant 16 : i32
    %add3A_900 = vector.broadcast %add3A_899 : i32 to vector<16xi32>
    %add3A_901 = arith.addi %get3A_895, %add3A_900 : vector<16xi32>
    %select_n3A_902 = arith.select %lt3A_898, %add3A_901, %get3A_895 : vector<16xi1>, vector<16xi32>
    %broadcast_in_dim3A_903 = vector.shape_cast %select_n3A_902 : vector<16xi32> to vector<16x1xi32>
    %gather3A_904 = vector.shape_cast %broadcast_in_dim3A_903 : vector<16x1xi32> to vector<16xi32>
    %gather3A_905 = tpu.dynamic_gather %get3A_128[%gather3A_904] in [0] : vector<16xf32>, vector<16xi32> -> vector<16xf32>
    %get3A_906 = arith.constant 2 : i32
    %get3A_907 = arith.index_cast %get3A_906 : i32 to index
    %get3A_908 = arith.constant 64 : index
    %get3A_909 = tpu.vector_load %arg12[%get3A_907, %get3A_908] {strides = array<i32>} : memref<4x128xf32, #tpu.memory_space<vmem>>, vector<1x16xf32>,
    %get3A_910 = vector.shape_cast %get3A_909 : vector<1x16xf32> to vector<16xf32>
    %get3A_911 = arith.constant 2 : i32
    %get3A_912 = arith.index_cast %get3A_911 : i32 to index
    %get3A_913 = arith.constant 64 : index
    %get3A_914 = tpu.vector_load %arg13[%get3A_912, %get3A_913] {strides = array<i32>} : memref<4x128xf32, #tpu.memory_space<vmem>>, vector<1x16xf32>,
    %get3A_915 = vector.shape_cast %get3A_914 : vector<1x16xf32> to vector<16xf32>
    %add3A_916 = arith.addf %get3A_910, %get3A_915 : vector<16xf32>
    %add3A_917 = arith.addf %add3A_916, %gather3A_905 : vector<16xf32>
    %exp3A_918 = math.exp %add3A_917 : vector<16xf32>
    %swap3A_919 = arith.constant 2 : i32
    %swap3A_920 = arith.index_cast %swap3A_919 : i32 to index
    %swap3A_921 = arith.constant 64 : index
    %swap3A_922 = tpu.vector_load %arg15[%swap3A_920, %swap3A_921] {strides = array<i32>} : memref<4x128xf32, #tpu.memory_space<vmem>>, vector<1x16xf32>,
    %swap3A_923 = vector.shape_cast %swap3A_922 : vector<1x16xf32> to vector<16xf32>
    %swap3A_924 = vector.shape_cast %exp3A_918 : vector<16xf32> to vector<1x16xf32>
    tpu.vector_store %arg15[%swap3A_920, %swap3A_921], %swap3A_924 {strides = array<i32>} : memref<4x128xf32, #tpu.memory_space<vmem>>, vector<1x16xf32>,
    %get3A_925 = arith.constant 2 : i32
    %get3A_926 = arith.index_cast %get3A_925 : i32 to index
    %get3A_927 = arith.constant 80 : index
    %get3A_928 = tpu.vector_load %arg11[%get3A_926, %get3A_927] {strides = array<i32>} : memref<4x128xi32, #tpu.memory_space<vmem>>, vector<1x16xi32>,
    %get3A_929 = vector.shape_cast %get3A_928 : vector<1x16xi32> to vector<16xi32>
    %lt3A_930 = arith.constant 0 : i32
    %lt3A_931 = vector.broadcast %lt3A_930 : i32 to vector<16xi32>
    %lt3A_932 = arith.cmpi slt, %get3A_929, %lt3A_931 : vector<16xi32>
    %add3A_933 = arith.constant 16 : i32
    %add3A_934 = vector.broadcast %add3A_933 : i32 to vector<16xi32>
    %add3A_935 = arith.addi %get3A_929, %add3A_934 : vector<16xi32>
    %select_n3A_936 = arith.select %lt3A_932, %add3A_935, %get3A_929 : vector<16xi1>, vector<16xi32>
    %broadcast_in_dim3A_937 = vector.shape_cast %select_n3A_936 : vector<16xi32> to vector<16x1xi32>
    %gather3A_938 = vector.shape_cast %broadcast_in_dim3A_937 : vector<16x1xi32> to vector<16xi32>
    %gather3A_939 = tpu.dynamic_gather %get3A_128[%gather3A_938] in [0] : vector<16xf32>, vector<16xi32> -> vector<16xf32>
    %get3A_940 = arith.constant 2 : i32
    %get3A_941 = arith.index_cast %get3A_940 : i32 to index
    %get3A_942 = arith.constant 80 : index
    %get3A_943 = tpu.vector_load %arg12[%get3A_941, %get3A_942] {strides = array<i32>} : memref<4x128xf32, #tpu.memory_space<vmem>>, vector<1x16xf32>,
    %get3A_944 = vector.shape_cast %get3A_943 : vector<1x16xf32> to vector<16xf32>
    %get3A_945 = arith.constant 2 : i32
    %get3A_946 = arith.index_cast %get3A_945 : i32 to index
    %get3A_947 = arith.constant 80 : index
    %get3A_948 = tpu.vector_load %arg13[%get3A_946, %get3A_947] {strides = array<i32>} : memref<4x128xf32, #tpu.memory_space<vmem>>, vector<1x16xf32>,
    %get3A_949 = vector.shape_cast %get3A_948 : vector<1x16xf32> to vector<16xf32>
    %add3A_950 = arith.addf %get3A_944, %get3A_949 : vector<16xf32>
    %add3A_951 = arith.addf %add3A_950, %gather3A_939 : vector<16xf32>
    %exp3A_952 = math.exp %add3A_951 : vector<16xf32>
    %swap3A_953 = arith.constant 2 : i32
    %swap3A_954 = arith.index_cast %swap3A_953 : i32 to index
    %swap3A_955 = arith.constant 80 : index
    %swap3A_956 = tpu.vector_load %arg15[%swap3A_954, %swap3A_955] {strides = array<i32>} : memref<4x128xf32, #tpu.memory_space<vmem>>, vector<1x16xf32>,
    %swap3A_957 = vector.shape_cast %swap3A_956 : vector<1x16xf32> to vector<16xf32>
    %swap3A_958 = vector.shape_cast %exp3A_952 : vector<16xf32> to vector<1x16xf32>
    tpu.vector_store %arg15[%swap3A_954, %swap3A_955], %swap3A_958 {strides = array<i32>} : memref<4x128xf32, #tpu.memory_space<vmem>>, vector<1x16xf32>,
    %get3A_959 = arith.constant 2 : i32
    %get3A_960 = arith.index_cast %get3A_959 : i32 to index
    %get3A_961 = arith.constant 96 : index
    %get3A_962 = tpu.vector_load %arg11[%get3A_960, %get3A_961] {strides = array<i32>} : memref<4x128xi32, #tpu.memory_space<vmem>>, vector<1x16xi32>,
    %get3A_963 = vector.shape_cast %get3A_962 : vector<1x16xi32> to vector<16xi32>
    %lt3A_964 = arith.constant 0 : i32
    %lt3A_965 = vector.broadcast %lt3A_964 : i32 to vector<16xi32>
    %lt3A_966 = arith.cmpi slt, %get3A_963, %lt3A_965 : vector<16xi32>
    %add3A_967 = arith.constant 16 : i32
    %add3A_968 = vector.broadcast %add3A_967 : i32 to vector<16xi32>
    %add3A_969 = arith.addi %get3A_963, %add3A_968 : vector<16xi32>
    %select_n3A_970 = arith.select %lt3A_966, %add3A_969, %get3A_963 : vector<16xi1>, vector<16xi32>
    %broadcast_in_dim3A_971 = vector.shape_cast %select_n3A_970 : vector<16xi32> to vector<16x1xi32>
    %gather3A_972 = vector.shape_cast %broadcast_in_dim3A_971 : vector<16x1xi32> to vector<16xi32>
    %gather3A_973 = tpu.dynamic_gather %get3A_128[%gather3A_972] in [0] : vector<16xf32>, vector<16xi32> -> vector<16xf32>
    %get3A_974 = arith.constant 2 : i32
    %get3A_975 = arith.index_cast %get3A_974 : i32 to index
    %get3A_976 = arith.constant 96 : index
    %get3A_977 = tpu.vector_load %arg12[%get3A_975, %get3A_976] {strides = array<i32>} : memref<4x128xf32, #tpu.memory_space<vmem>>, vector<1x16xf32>,
    %get3A_978 = vector.shape_cast %get3A_977 : vector<1x16xf32> to vector<16xf32>
    %get3A_979 = arith.constant 2 : i32
    %get3A_980 = arith.index_cast %get3A_979 : i32 to index
    %get3A_981 = arith.constant 96 : index
    %get3A_982 = tpu.vector_load %arg13[%get3A_980, %get3A_981] {strides = array<i32>} : memref<4x128xf32, #tpu.memory_space<vmem>>, vector<1x16xf32>,
    %get3A_983 = vector.shape_cast %get3A_982 : vector<1x16xf32> to vector<16xf32>
    %add3A_984 = arith.addf %get3A_978, %get3A_983 : vector<16xf32>
    %add3A_985 = arith.addf %add3A_984, %gather3A_973 : vector<16xf32>
    %exp3A_986 = math.exp %add3A_985 : vector<16xf32>
    %swap3A_987 = arith.constant 2 : i32
    %swap3A_988 = arith.index_cast %swap3A_987 : i32 to index
    %swap3A_989 = arith.constant 96 : index
    %swap3A_990 = tpu.vector_load %arg15[%swap3A_988, %swap3A_989] {strides = array<i32>} : memref<4x128xf32, #tpu.memory_space<vmem>>, vector<1x16xf32>,
    %swap3A_991 = vector.shape_cast %swap3A_990 : vector<1x16xf32> to vector<16xf32>
    %swap3A_992 = vector.shape_cast %exp3A_986 : vector<16xf32> to vector<1x16xf32>
    tpu.vector_store %arg15[%swap3A_988, %swap3A_989], %swap3A_992 {strides = array<i32>} : memref<4x128xf32, #tpu.memory_space<vmem>>, vector<1x16xf32>,
    %get3A_993 = arith.constant 2 : i32
    %get3A_994 = arith.index_cast %get3A_993 : i32 to index
    %get3A_995 = arith.constant 112 : index
    %get3A_996 = tpu.vector_load %arg11[%get3A_994, %get3A_995] {strides = array<i32>} : memref<4x128xi32, #tpu.memory_space<vmem>>, vector<1x16xi32>,
    %get3A_997 = vector.shape_cast %get3A_996 : vector<1x16xi32> to vector<16xi32>
    %lt3A_998 = arith.constant 0 : i32
    %lt3A_999 = vector.broadcast %lt3A_998 : i32 to vector<16xi32>
    %lt3A_1000 = arith.cmpi slt, %get3A_997, %lt3A_999 : vector<16xi32>
    %add3A_1001 = arith.constant 16 : i32
    %add3A_1002 = vector.broadcast %add3A_1001 : i32 to vector<16xi32>
    %add3A_1003 = arith.addi %get3A_997, %add3A_1002 : vector<16xi32>
    %select_n3A_1004 = arith.select %lt3A_1000, %add3A_1003, %get3A_997 : vector<16xi1>, vector<16xi32>
    %broadcast_in_dim3A_1005 = vector.shape_cast %select_n3A_1004 : vector<16xi32> to vector<16x1xi32>
    %gather3A_1006 = vector.shape_cast %broadcast_in_dim3A_1005 : vector<16x1xi32> to vector<16xi32>
    %gather3A_1007 = tpu.dynamic_gather %get3A_128[%gather3A_1006] in [0] : vector<16xf32>, vector<16xi32> -> vector<16xf32>
    %get3A_1008 = arith.constant 2 : i32
    %get3A_1009 = arith.index_cast %get3A_1008 : i32 to index
    %get3A_1010 = arith.constant 112 : index
    %get3A_1011 = tpu.vector_load %arg12[%get3A_1009, %get3A_1010] {strides = array<i32>} : memref<4x128xf32, #tpu.memory_space<vmem>>, vector<1x16xf32>,
    %get3A_1012 = vector.shape_cast %get3A_1011 : vector<1x16xf32> to vector<16xf32>
    %get3A_1013 = arith.constant 2 : i32
    %get3A_1014 = arith.index_cast %get3A_1013 : i32 to index
    %get3A_1015 = arith.constant 112 : index
    %get3A_1016 = tpu.vector_load %arg13[%get3A_1014, %get3A_1015] {strides = array<i32>} : memref<4x128xf32, #tpu.memory_space<vmem>>, vector<1x16xf32>,
    %get3A_1017 = vector.shape_cast %get3A_1016 : vector<1x16xf32> to vector<16xf32>
    %add3A_1018 = arith.addf %get3A_1012, %get3A_1017 : vector<16xf32>
    %add3A_1019 = arith.addf %add3A_1018, %gather3A_1007 : vector<16xf32>
    %exp3A_1020 = math.exp %add3A_1019 : vector<16xf32>
    %swap3A_1021 = arith.constant 2 : i32
    %swap3A_1022 = arith.index_cast %swap3A_1021 : i32 to index
    %swap3A_1023 = arith.constant 112 : index
    %swap3A_1024 = tpu.vector_load %arg15[%swap3A_1022, %swap3A_1023] {strides = array<i32>} : memref<4x128xf32, #tpu.memory_space<vmem>>, vector<1x16xf32>,
    %swap3A_1025 = vector.shape_cast %swap3A_1024 : vector<1x16xf32> to vector<16xf32>
    %swap3A_1026 = vector.shape_cast %exp3A_1020 : vector<16xf32> to vector<1x16xf32>
    tpu.vector_store %arg15[%swap3A_1022, %swap3A_1023], %swap3A_1026 {strides = array<i32>} : memref<4x128xf32, #tpu.memory_space<vmem>>, vector<1x16xf32>,
    %dma_start3A_1027 = arith.constant 2 : i32
    %dma_start3A_1028 = arith.constant 2 : i32
    %dma_start3A_1029 = arith.constant 0 : i32
    %dma_start3A_1030 = tpu.memref_slice %arg15[%dma_start3A_1027, %dma_start3A_1029] : memref<4x128xf32, #tpu.memory_space<vmem>> -> memref<1x128xf32, #tpu.memory_space<vmem>>
    %dma_start3A_1031 = tpu.memref_squeeze %dma_start3A_1030 : memref<1x128xf32, #tpu.memory_space<vmem>> -> memref<128xf32, #tpu.memory_space<vmem>>
    %dma_start3A_1032 = arith.constant 0 : i32
    %dma_start3A_1033 = tpu.memref_slice %arg8[%add3A, %dma_start3A_1028, %dma_start3A_1032] : memref<32x4x128xf32, #tpu.memory_space<hbm>> -> memref<1x1x128xf32, #tpu.memory_space<hbm>>
    %dma_start3A_1034 = tpu.memref_squeeze %dma_start3A_1033 : memref<1x1x128xf32, #tpu.memory_space<hbm>> -> memref<128xf32, #tpu.memory_space<hbm>>
    %dma_start3A_1035 = arith.constant 0 : i32
    %dma_start3A_1036 = tpu.memref_slice %arg8[%add3A, %dma_start3A_1028, %dma_start3A_1035] : memref<32x4x128xf32, #tpu.memory_space<hbm>> -> memref<1x1x128xf32, #tpu.memory_space<hbm>>
    %dma_start3A_1037 = tpu.memref_squeeze %dma_start3A_1036 : memref<1x1x128xf32, #tpu.memory_space<hbm>> -> memref<128xf32, #tpu.memory_space<hbm>>
    %dma_start3A_1038 = arith.constant 0 : i32
    %dma_start3A_1039 = tpu.memref_slice %arg15[%dma_start3A_1027, %dma_start3A_1038] : memref<4x128xf32, #tpu.memory_space<vmem>> -> memref<1x128xf32, #tpu.memory_space<vmem>>
    %dma_start3A_1040 = tpu.memref_squeeze %dma_start3A_1039 : memref<1x128xf32, #tpu.memory_space<vmem>> -> memref<128xf32, #tpu.memory_space<vmem>>
    tpu.enqueue_dma source(%dma_start3A_1040 : memref<128xf32, #tpu.memory_space<vmem>>) target(%dma_start3A_1037 : memref<128xf32, #tpu.memory_space<hbm>>) target_semaphore(%arg22 : memref<!tpu.dma_semaphore, #tpu.memory_space<semaphore_mem>>)
    %dma_wait3A_1041 = arith.constant 3 : i32
    %dma_wait3A_1042 = arith.constant 3 : i32
    %dma_wait3A_1043 = arith.constant 0 : i32
    %dma_wait3A_1044 = tpu.memref_slice %arg12[%dma_wait3A_1042, %dma_wait3A_1043] : memref<4x128xf32, #tpu.memory_space<vmem>> -> memref<1x128xf32, #tpu.memory_space<vmem>>
    %dma_wait3A_1045 = tpu.memref_squeeze %dma_wait3A_1044 : memref<1x128xf32, #tpu.memory_space<vmem>> -> memref<128xf32, #tpu.memory_space<vmem>>
    %dma_wait3A_1046 = arith.constant 0 : i32
    %dma_wait3A_1047 = tpu.memref_slice %arg9[%dma_wait3A_1041, %dma_wait3A_1046] : memref<4x128xi32, #tpu.memory_space<vmem>> -> memref<1x128xi32, #tpu.memory_space<vmem>>
    %dma_wait3A_1048 = tpu.memref_squeeze %dma_wait3A_1047 : memref<1x128xi32, #tpu.memory_space<vmem>> -> memref<128xi32, #tpu.memory_space<vmem>>
    %dma_wait3A_1049 = arith.constant 0 : i32
    %dma_wait3A_1050 = tpu.memref_slice %arg5[%dma_wait3A_1049] : memref<1000000xf32, #tpu.memory_space<hbm>> -> memref<1000000xf32, #tpu.memory_space<hbm>>
    tpu.wait_indirect_dma semaphore(%arg21 : memref<!tpu.dma_semaphore, #tpu.memory_space<semaphore_mem>>) src(%dma_wait3A_1050 : memref<1000000xf32, #tpu.memory_space<hbm>>) dst(%dma_wait3A_1045 : memref<128xf32, #tpu.memory_space<vmem>>)
    %dma_wait3A_1051 = arith.constant 3 : i32
    %dma_wait3A_1052 = arith.constant 3 : i32
    %dma_wait3A_1053 = arith.constant 0 : i32
    %dma_wait3A_1054 = tpu.memref_slice %arg13[%dma_wait3A_1052, %dma_wait3A_1053] : memref<4x128xf32, #tpu.memory_space<vmem>> -> memref<1x128xf32, #tpu.memory_space<vmem>>
    %dma_wait3A_1055 = tpu.memref_squeeze %dma_wait3A_1054 : memref<1x128xf32, #tpu.memory_space<vmem>> -> memref<128xf32, #tpu.memory_space<vmem>>
    %dma_wait3A_1056 = arith.constant 0 : i32
    %dma_wait3A_1057 = tpu.memref_slice %arg10[%dma_wait3A_1051, %dma_wait3A_1056] : memref<4x128xi32, #tpu.memory_space<vmem>> -> memref<1x128xi32, #tpu.memory_space<vmem>>
    %dma_wait3A_1058 = tpu.memref_squeeze %dma_wait3A_1057 : memref<1x128xi32, #tpu.memory_space<vmem>> -> memref<128xi32, #tpu.memory_space<vmem>>
    %dma_wait3A_1059 = arith.constant 0 : i32
    %dma_wait3A_1060 = tpu.memref_slice %arg6[%dma_wait3A_1059] : memref<1000000xf32, #tpu.memory_space<hbm>> -> memref<1000000xf32, #tpu.memory_space<hbm>>
    tpu.wait_indirect_dma semaphore(%arg21 : memref<!tpu.dma_semaphore, #tpu.memory_space<semaphore_mem>>) src(%dma_wait3A_1060 : memref<1000000xf32, #tpu.memory_space<hbm>>) dst(%dma_wait3A_1055 : memref<128xf32, #tpu.memory_space<vmem>>)
    %get3A_1061 = arith.constant 3 : i32
    %get3A_1062 = arith.index_cast %get3A_1061 : i32 to index
    %get3A_1063 = arith.constant 0 : index
    %get3A_1064 = tpu.vector_load %arg11[%get3A_1062, %get3A_1063] {strides = array<i32>} : memref<4x128xi32, #tpu.memory_space<vmem>>, vector<1x16xi32>,
    %get3A_1065 = vector.shape_cast %get3A_1064 : vector<1x16xi32> to vector<16xi32>
    %lt3A_1066 = arith.constant 0 : i32
    %lt3A_1067 = vector.broadcast %lt3A_1066 : i32 to vector<16xi32>
    %lt3A_1068 = arith.cmpi slt, %get3A_1065, %lt3A_1067 : vector<16xi32>
    %add3A_1069 = arith.constant 16 : i32
    %add3A_1070 = vector.broadcast %add3A_1069 : i32 to vector<16xi32>
    %add3A_1071 = arith.addi %get3A_1065, %add3A_1070 : vector<16xi32>
    %select_n3A_1072 = arith.select %lt3A_1068, %add3A_1071, %get3A_1065 : vector<16xi1>, vector<16xi32>
    %broadcast_in_dim3A_1073 = vector.shape_cast %select_n3A_1072 : vector<16xi32> to vector<16x1xi32>
    %gather3A_1074 = vector.shape_cast %broadcast_in_dim3A_1073 : vector<16x1xi32> to vector<16xi32>
    %gather3A_1075 = tpu.dynamic_gather %get3A_128[%gather3A_1074] in [0] : vector<16xf32>, vector<16xi32> -> vector<16xf32>
    %get3A_1076 = arith.constant 3 : i32
    %get3A_1077 = arith.index_cast %get3A_1076 : i32 to index
    %get3A_1078 = arith.constant 0 : index
    %get3A_1079 = tpu.vector_load %arg12[%get3A_1077, %get3A_1078] {strides = array<i32>} : memref<4x128xf32, #tpu.memory_space<vmem>>, vector<1x16xf32>,
    %get3A_1080 = vector.shape_cast %get3A_1079 : vector<1x16xf32> to vector<16xf32>
    %get3A_1081 = arith.constant 3 : i32
    %get3A_1082 = arith.index_cast %get3A_1081 : i32 to index
    %get3A_1083 = arith.constant 0 : index
    %get3A_1084 = tpu.vector_load %arg13[%get3A_1082, %get3A_1083] {strides = array<i32>} : memref<4x128xf32, #tpu.memory_space<vmem>>, vector<1x16xf32>,
    %get3A_1085 = vector.shape_cast %get3A_1084 : vector<1x16xf32> to vector<16xf32>
    %add3A_1086 = arith.addf %get3A_1080, %get3A_1085 : vector<16xf32>
    %add3A_1087 = arith.addf %add3A_1086, %gather3A_1075 : vector<16xf32>
    %exp3A_1088 = math.exp %add3A_1087 : vector<16xf32>
    %swap3A_1089 = arith.constant 3 : i32
    %swap3A_1090 = arith.index_cast %swap3A_1089 : i32 to index
    %swap3A_1091 = arith.constant 0 : index
    %swap3A_1092 = tpu.vector_load %arg15[%swap3A_1090, %swap3A_1091] {strides = array<i32>} : memref<4x128xf32, #tpu.memory_space<vmem>>, vector<1x16xf32>,
    %swap3A_1093 = vector.shape_cast %swap3A_1092 : vector<1x16xf32> to vector<16xf32>
    %swap3A_1094 = vector.shape_cast %exp3A_1088 : vector<16xf32> to vector<1x16xf32>
    tpu.vector_store %arg15[%swap3A_1090, %swap3A_1091], %swap3A_1094 {strides = array<i32>} : memref<4x128xf32, #tpu.memory_space<vmem>>, vector<1x16xf32>,
    %get3A_1095 = arith.constant 3 : i32
    %get3A_1096 = arith.index_cast %get3A_1095 : i32 to index
    %get3A_1097 = arith.constant 16 : index
    %get3A_1098 = tpu.vector_load %arg11[%get3A_1096, %get3A_1097] {strides = array<i32>} : memref<4x128xi32, #tpu.memory_space<vmem>>, vector<1x16xi32>,
    %get3A_1099 = vector.shape_cast %get3A_1098 : vector<1x16xi32> to vector<16xi32>
    %lt3A_1100 = arith.constant 0 : i32
    %lt3A_1101 = vector.broadcast %lt3A_1100 : i32 to vector<16xi32>
    %lt3A_1102 = arith.cmpi slt, %get3A_1099, %lt3A_1101 : vector<16xi32>
    %add3A_1103 = arith.constant 16 : i32
    %add3A_1104 = vector.broadcast %add3A_1103 : i32 to vector<16xi32>
    %add3A_1105 = arith.addi %get3A_1099, %add3A_1104 : vector<16xi32>
    %select_n3A_1106 = arith.select %lt3A_1102, %add3A_1105, %get3A_1099 : vector<16xi1>, vector<16xi32>
    %broadcast_in_dim3A_1107 = vector.shape_cast %select_n3A_1106 : vector<16xi32> to vector<16x1xi32>
    %gather3A_1108 = vector.shape_cast %broadcast_in_dim3A_1107 : vector<16x1xi32> to vector<16xi32>
    %gather3A_1109 = tpu.dynamic_gather %get3A_128[%gather3A_1108] in [0] : vector<16xf32>, vector<16xi32> -> vector<16xf32>
    %get3A_1110 = arith.constant 3 : i32
    %get3A_1111 = arith.index_cast %get3A_1110 : i32 to index
    %get3A_1112 = arith.constant 16 : index
    %get3A_1113 = tpu.vector_load %arg12[%get3A_1111, %get3A_1112] {strides = array<i32>} : memref<4x128xf32, #tpu.memory_space<vmem>>, vector<1x16xf32>,
    %get3A_1114 = vector.shape_cast %get3A_1113 : vector<1x16xf32> to vector<16xf32>
    %get3A_1115 = arith.constant 3 : i32
    %get3A_1116 = arith.index_cast %get3A_1115 : i32 to index
    %get3A_1117 = arith.constant 16 : index
    %get3A_1118 = tpu.vector_load %arg13[%get3A_1116, %get3A_1117] {strides = array<i32>} : memref<4x128xf32, #tpu.memory_space<vmem>>, vector<1x16xf32>,
    %get3A_1119 = vector.shape_cast %get3A_1118 : vector<1x16xf32> to vector<16xf32>
    %add3A_1120 = arith.addf %get3A_1114, %get3A_1119 : vector<16xf32>
    %add3A_1121 = arith.addf %add3A_1120, %gather3A_1109 : vector<16xf32>
    %exp3A_1122 = math.exp %add3A_1121 : vector<16xf32>
    %swap3A_1123 = arith.constant 3 : i32
    %swap3A_1124 = arith.index_cast %swap3A_1123 : i32 to index
    %swap3A_1125 = arith.constant 16 : index
    %swap3A_1126 = tpu.vector_load %arg15[%swap3A_1124, %swap3A_1125] {strides = array<i32>} : memref<4x128xf32, #tpu.memory_space<vmem>>, vector<1x16xf32>,
    %swap3A_1127 = vector.shape_cast %swap3A_1126 : vector<1x16xf32> to vector<16xf32>
    %swap3A_1128 = vector.shape_cast %exp3A_1122 : vector<16xf32> to vector<1x16xf32>
    tpu.vector_store %arg15[%swap3A_1124, %swap3A_1125], %swap3A_1128 {strides = array<i32>} : memref<4x128xf32, #tpu.memory_space<vmem>>, vector<1x16xf32>,
    %get3A_1129 = arith.constant 3 : i32
    %get3A_1130 = arith.index_cast %get3A_1129 : i32 to index
    %get3A_1131 = arith.constant 32 : index
    %get3A_1132 = tpu.vector_load %arg11[%get3A_1130, %get3A_1131] {strides = array<i32>} : memref<4x128xi32, #tpu.memory_space<vmem>>, vector<1x16xi32>,
    %get3A_1133 = vector.shape_cast %get3A_1132 : vector<1x16xi32> to vector<16xi32>
    %lt3A_1134 = arith.constant 0 : i32
    %lt3A_1135 = vector.broadcast %lt3A_1134 : i32 to vector<16xi32>
    %lt3A_1136 = arith.cmpi slt, %get3A_1133, %lt3A_1135 : vector<16xi32>
    %add3A_1137 = arith.constant 16 : i32
    %add3A_1138 = vector.broadcast %add3A_1137 : i32 to vector<16xi32>
    %add3A_1139 = arith.addi %get3A_1133, %add3A_1138 : vector<16xi32>
    %select_n3A_1140 = arith.select %lt3A_1136, %add3A_1139, %get3A_1133 : vector<16xi1>, vector<16xi32>
    %broadcast_in_dim3A_1141 = vector.shape_cast %select_n3A_1140 : vector<16xi32> to vector<16x1xi32>
    %gather3A_1142 = vector.shape_cast %broadcast_in_dim3A_1141 : vector<16x1xi32> to vector<16xi32>
    %gather3A_1143 = tpu.dynamic_gather %get3A_128[%gather3A_1142] in [0] : vector<16xf32>, vector<16xi32> -> vector<16xf32>
    %get3A_1144 = arith.constant 3 : i32
    %get3A_1145 = arith.index_cast %get3A_1144 : i32 to index
    %get3A_1146 = arith.constant 32 : index
    %get3A_1147 = tpu.vector_load %arg12[%get3A_1145, %get3A_1146] {strides = array<i32>} : memref<4x128xf32, #tpu.memory_space<vmem>>, vector<1x16xf32>,
    %get3A_1148 = vector.shape_cast %get3A_1147 : vector<1x16xf32> to vector<16xf32>
    %get3A_1149 = arith.constant 3 : i32
    %get3A_1150 = arith.index_cast %get3A_1149 : i32 to index
    %get3A_1151 = arith.constant 32 : index
    %get3A_1152 = tpu.vector_load %arg13[%get3A_1150, %get3A_1151] {strides = array<i32>} : memref<4x128xf32, #tpu.memory_space<vmem>>, vector<1x16xf32>,
    %get3A_1153 = vector.shape_cast %get3A_1152 : vector<1x16xf32> to vector<16xf32>
    %add3A_1154 = arith.addf %get3A_1148, %get3A_1153 : vector<16xf32>
    %add3A_1155 = arith.addf %add3A_1154, %gather3A_1143 : vector<16xf32>
    %exp3A_1156 = math.exp %add3A_1155 : vector<16xf32>
    %swap3A_1157 = arith.constant 3 : i32
    %swap3A_1158 = arith.index_cast %swap3A_1157 : i32 to index
    %swap3A_1159 = arith.constant 32 : index
    %swap3A_1160 = tpu.vector_load %arg15[%swap3A_1158, %swap3A_1159] {strides = array<i32>} : memref<4x128xf32, #tpu.memory_space<vmem>>, vector<1x16xf32>,
    %swap3A_1161 = vector.shape_cast %swap3A_1160 : vector<1x16xf32> to vector<16xf32>
    %swap3A_1162 = vector.shape_cast %exp3A_1156 : vector<16xf32> to vector<1x16xf32>
    tpu.vector_store %arg15[%swap3A_1158, %swap3A_1159], %swap3A_1162 {strides = array<i32>} : memref<4x128xf32, #tpu.memory_space<vmem>>, vector<1x16xf32>,
    %get3A_1163 = arith.constant 3 : i32
    %get3A_1164 = arith.index_cast %get3A_1163 : i32 to index
    %get3A_1165 = arith.constant 48 : index
    %get3A_1166 = tpu.vector_load %arg11[%get3A_1164, %get3A_1165] {strides = array<i32>} : memref<4x128xi32, #tpu.memory_space<vmem>>, vector<1x16xi32>,
    %get3A_1167 = vector.shape_cast %get3A_1166 : vector<1x16xi32> to vector<16xi32>
    %lt3A_1168 = arith.constant 0 : i32
    %lt3A_1169 = vector.broadcast %lt3A_1168 : i32 to vector<16xi32>
    %lt3A_1170 = arith.cmpi slt, %get3A_1167, %lt3A_1169 : vector<16xi32>
    %add3A_1171 = arith.constant 16 : i32
    %add3A_1172 = vector.broadcast %add3A_1171 : i32 to vector<16xi32>
    %add3A_1173 = arith.addi %get3A_1167, %add3A_1172 : vector<16xi32>
    %select_n3A_1174 = arith.select %lt3A_1170, %add3A_1173, %get3A_1167 : vector<16xi1>, vector<16xi32>
    %broadcast_in_dim3A_1175 = vector.shape_cast %select_n3A_1174 : vector<16xi32> to vector<16x1xi32>
    %gather3A_1176 = vector.shape_cast %broadcast_in_dim3A_1175 : vector<16x1xi32> to vector<16xi32>
    %gather3A_1177 = tpu.dynamic_gather %get3A_128[%gather3A_1176] in [0] : vector<16xf32>, vector<16xi32> -> vector<16xf32>
    %get3A_1178 = arith.constant 3 : i32
    %get3A_1179 = arith.index_cast %get3A_1178 : i32 to index
    %get3A_1180 = arith.constant 48 : index
    %get3A_1181 = tpu.vector_load %arg12[%get3A_1179, %get3A_1180] {strides = array<i32>} : memref<4x128xf32, #tpu.memory_space<vmem>>, vector<1x16xf32>,
    %get3A_1182 = vector.shape_cast %get3A_1181 : vector<1x16xf32> to vector<16xf32>
    %get3A_1183 = arith.constant 3 : i32
    %get3A_1184 = arith.index_cast %get3A_1183 : i32 to index
    %get3A_1185 = arith.constant 48 : index
    %get3A_1186 = tpu.vector_load %arg13[%get3A_1184, %get3A_1185] {strides = array<i32>} : memref<4x128xf32, #tpu.memory_space<vmem>>, vector<1x16xf32>,
    %get3A_1187 = vector.shape_cast %get3A_1186 : vector<1x16xf32> to vector<16xf32>
    %add3A_1188 = arith.addf %get3A_1182, %get3A_1187 : vector<16xf32>
    %add3A_1189 = arith.addf %add3A_1188, %gather3A_1177 : vector<16xf32>
    %exp3A_1190 = math.exp %add3A_1189 : vector<16xf32>
    %swap3A_1191 = arith.constant 3 : i32
    %swap3A_1192 = arith.index_cast %swap3A_1191 : i32 to index
    %swap3A_1193 = arith.constant 48 : index
    %swap3A_1194 = tpu.vector_load %arg15[%swap3A_1192, %swap3A_1193] {strides = array<i32>} : memref<4x128xf32, #tpu.memory_space<vmem>>, vector<1x16xf32>,
    %swap3A_1195 = vector.shape_cast %swap3A_1194 : vector<1x16xf32> to vector<16xf32>
    %swap3A_1196 = vector.shape_cast %exp3A_1190 : vector<16xf32> to vector<1x16xf32>
    tpu.vector_store %arg15[%swap3A_1192, %swap3A_1193], %swap3A_1196 {strides = array<i32>} : memref<4x128xf32, #tpu.memory_space<vmem>>, vector<1x16xf32>,
    %get3A_1197 = arith.constant 3 : i32
    %get3A_1198 = arith.index_cast %get3A_1197 : i32 to index
    %get3A_1199 = arith.constant 64 : index
    %get3A_1200 = tpu.vector_load %arg11[%get3A_1198, %get3A_1199] {strides = array<i32>} : memref<4x128xi32, #tpu.memory_space<vmem>>, vector<1x16xi32>,
    %get3A_1201 = vector.shape_cast %get3A_1200 : vector<1x16xi32> to vector<16xi32>
    %lt3A_1202 = arith.constant 0 : i32
    %lt3A_1203 = vector.broadcast %lt3A_1202 : i32 to vector<16xi32>
    %lt3A_1204 = arith.cmpi slt, %get3A_1201, %lt3A_1203 : vector<16xi32>
    %add3A_1205 = arith.constant 16 : i32
    %add3A_1206 = vector.broadcast %add3A_1205 : i32 to vector<16xi32>
    %add3A_1207 = arith.addi %get3A_1201, %add3A_1206 : vector<16xi32>
    %select_n3A_1208 = arith.select %lt3A_1204, %add3A_1207, %get3A_1201 : vector<16xi1>, vector<16xi32>
    %broadcast_in_dim3A_1209 = vector.shape_cast %select_n3A_1208 : vector<16xi32> to vector<16x1xi32>
    %gather3A_1210 = vector.shape_cast %broadcast_in_dim3A_1209 : vector<16x1xi32> to vector<16xi32>
    %gather3A_1211 = tpu.dynamic_gather %get3A_128[%gather3A_1210] in [0] : vector<16xf32>, vector<16xi32> -> vector<16xf32>
    %get3A_1212 = arith.constant 3 : i32
    %get3A_1213 = arith.index_cast %get3A_1212 : i32 to index
    %get3A_1214 = arith.constant 64 : index
    %get3A_1215 = tpu.vector_load %arg12[%get3A_1213, %get3A_1214] {strides = array<i32>} : memref<4x128xf32, #tpu.memory_space<vmem>>, vector<1x16xf32>,
    %get3A_1216 = vector.shape_cast %get3A_1215 : vector<1x16xf32> to vector<16xf32>
    %get3A_1217 = arith.constant 3 : i32
    %get3A_1218 = arith.index_cast %get3A_1217 : i32 to index
    %get3A_1219 = arith.constant 64 : index
    %get3A_1220 = tpu.vector_load %arg13[%get3A_1218, %get3A_1219] {strides = array<i32>} : memref<4x128xf32, #tpu.memory_space<vmem>>, vector<1x16xf32>,
    %get3A_1221 = vector.shape_cast %get3A_1220 : vector<1x16xf32> to vector<16xf32>
    %add3A_1222 = arith.addf %get3A_1216, %get3A_1221 : vector<16xf32>
    %add3A_1223 = arith.addf %add3A_1222, %gather3A_1211 : vector<16xf32>
    %exp3A_1224 = math.exp %add3A_1223 : vector<16xf32>
    %swap3A_1225 = arith.constant 3 : i32
    %swap3A_1226 = arith.index_cast %swap3A_1225 : i32 to index
    %swap3A_1227 = arith.constant 64 : index
    %swap3A_1228 = tpu.vector_load %arg15[%swap3A_1226, %swap3A_1227] {strides = array<i32>} : memref<4x128xf32, #tpu.memory_space<vmem>>, vector<1x16xf32>,
    %swap3A_1229 = vector.shape_cast %swap3A_1228 : vector<1x16xf32> to vector<16xf32>
    %swap3A_1230 = vector.shape_cast %exp3A_1224 : vector<16xf32> to vector<1x16xf32>
    tpu.vector_store %arg15[%swap3A_1226, %swap3A_1227], %swap3A_1230 {strides = array<i32>} : memref<4x128xf32, #tpu.memory_space<vmem>>, vector<1x16xf32>,
    %get3A_1231 = arith.constant 3 : i32
    %get3A_1232 = arith.index_cast %get3A_1231 : i32 to index
    %get3A_1233 = arith.constant 80 : index
    %get3A_1234 = tpu.vector_load %arg11[%get3A_1232, %get3A_1233] {strides = array<i32>} : memref<4x128xi32, #tpu.memory_space<vmem>>, vector<1x16xi32>,
    %get3A_1235 = vector.shape_cast %get3A_1234 : vector<1x16xi32> to vector<16xi32>
    %lt3A_1236 = arith.constant 0 : i32
    %lt3A_1237 = vector.broadcast %lt3A_1236 : i32 to vector<16xi32>
    %lt3A_1238 = arith.cmpi slt, %get3A_1235, %lt3A_1237 : vector<16xi32>
    %add3A_1239 = arith.constant 16 : i32
    %add3A_1240 = vector.broadcast %add3A_1239 : i32 to vector<16xi32>
    %add3A_1241 = arith.addi %get3A_1235, %add3A_1240 : vector<16xi32>
    %select_n3A_1242 = arith.select %lt3A_1238, %add3A_1241, %get3A_1235 : vector<16xi1>, vector<16xi32>
    %broadcast_in_dim3A_1243 = vector.shape_cast %select_n3A_1242 : vector<16xi32> to vector<16x1xi32>
    %gather3A_1244 = vector.shape_cast %broadcast_in_dim3A_1243 : vector<16x1xi32> to vector<16xi32>
    %gather3A_1245 = tpu.dynamic_gather %get3A_128[%gather3A_1244] in [0] : vector<16xf32>, vector<16xi32> -> vector<16xf32>
    %get3A_1246 = arith.constant 3 : i32
    %get3A_1247 = arith.index_cast %get3A_1246 : i32 to index
    %get3A_1248 = arith.constant 80 : index
    %get3A_1249 = tpu.vector_load %arg12[%get3A_1247, %get3A_1248] {strides = array<i32>} : memref<4x128xf32, #tpu.memory_space<vmem>>, vector<1x16xf32>,
    %get3A_1250 = vector.shape_cast %get3A_1249 : vector<1x16xf32> to vector<16xf32>
    %get3A_1251 = arith.constant 3 : i32
    %get3A_1252 = arith.index_cast %get3A_1251 : i32 to index
    %get3A_1253 = arith.constant 80 : index
    %get3A_1254 = tpu.vector_load %arg13[%get3A_1252, %get3A_1253] {strides = array<i32>} : memref<4x128xf32, #tpu.memory_space<vmem>>, vector<1x16xf32>,
    %get3A_1255 = vector.shape_cast %get3A_1254 : vector<1x16xf32> to vector<16xf32>
    %add3A_1256 = arith.addf %get3A_1250, %get3A_1255 : vector<16xf32>
    %add3A_1257 = arith.addf %add3A_1256, %gather3A_1245 : vector<16xf32>
    %exp3A_1258 = math.exp %add3A_1257 : vector<16xf32>
    %swap3A_1259 = arith.constant 3 : i32
    %swap3A_1260 = arith.index_cast %swap3A_1259 : i32 to index
    %swap3A_1261 = arith.constant 80 : index
    %swap3A_1262 = tpu.vector_load %arg15[%swap3A_1260, %swap3A_1261] {strides = array<i32>} : memref<4x128xf32, #tpu.memory_space<vmem>>, vector<1x16xf32>,
    %swap3A_1263 = vector.shape_cast %swap3A_1262 : vector<1x16xf32> to vector<16xf32>
    %swap3A_1264 = vector.shape_cast %exp3A_1258 : vector<16xf32> to vector<1x16xf32>
    tpu.vector_store %arg15[%swap3A_1260, %swap3A_1261], %swap3A_1264 {strides = array<i32>} : memref<4x128xf32, #tpu.memory_space<vmem>>, vector<1x16xf32>,
    %get3A_1265 = arith.constant 3 : i32
    %get3A_1266 = arith.index_cast %get3A_1265 : i32 to index
    %get3A_1267 = arith.constant 96 : index
    %get3A_1268 = tpu.vector_load %arg11[%get3A_1266, %get3A_1267] {strides = array<i32>} : memref<4x128xi32, #tpu.memory_space<vmem>>, vector<1x16xi32>,
    %get3A_1269 = vector.shape_cast %get3A_1268 : vector<1x16xi32> to vector<16xi32>
    %lt3A_1270 = arith.constant 0 : i32
    %lt3A_1271 = vector.broadcast %lt3A_1270 : i32 to vector<16xi32>
    %lt3A_1272 = arith.cmpi slt, %get3A_1269, %lt3A_1271 : vector<16xi32>
    %add3A_1273 = arith.constant 16 : i32
    %add3A_1274 = vector.broadcast %add3A_1273 : i32 to vector<16xi32>
    %add3A_1275 = arith.addi %get3A_1269, %add3A_1274 : vector<16xi32>
    %select_n3A_1276 = arith.select %lt3A_1272, %add3A_1275, %get3A_1269 : vector<16xi1>, vector<16xi32>
    %broadcast_in_dim3A_1277 = vector.shape_cast %select_n3A_1276 : vector<16xi32> to vector<16x1xi32>
    %gather3A_1278 = vector.shape_cast %broadcast_in_dim3A_1277 : vector<16x1xi32> to vector<16xi32>
    %gather3A_1279 = tpu.dynamic_gather %get3A_128[%gather3A_1278] in [0] : vector<16xf32>, vector<16xi32> -> vector<16xf32>
    %get3A_1280 = arith.constant 3 : i32
    %get3A_1281 = arith.index_cast %get3A_1280 : i32 to index
    %get3A_1282 = arith.constant 96 : index
    %get3A_1283 = tpu.vector_load %arg12[%get3A_1281, %get3A_1282] {strides = array<i32>} : memref<4x128xf32, #tpu.memory_space<vmem>>, vector<1x16xf32>,
    %get3A_1284 = vector.shape_cast %get3A_1283 : vector<1x16xf32> to vector<16xf32>
    %get3A_1285 = arith.constant 3 : i32
    %get3A_1286 = arith.index_cast %get3A_1285 : i32 to index
    %get3A_1287 = arith.constant 96 : index
    %get3A_1288 = tpu.vector_load %arg13[%get3A_1286, %get3A_1287] {strides = array<i32>} : memref<4x128xf32, #tpu.memory_space<vmem>>, vector<1x16xf32>,
    %get3A_1289 = vector.shape_cast %get3A_1288 : vector<1x16xf32> to vector<16xf32>
    %add3A_1290 = arith.addf %get3A_1284, %get3A_1289 : vector<16xf32>
    %add3A_1291 = arith.addf %add3A_1290, %gather3A_1279 : vector<16xf32>
    %exp3A_1292 = math.exp %add3A_1291 : vector<16xf32>
    %swap3A_1293 = arith.constant 3 : i32
    %swap3A_1294 = arith.index_cast %swap3A_1293 : i32 to index
    %swap3A_1295 = arith.constant 96 : index
    %swap3A_1296 = tpu.vector_load %arg15[%swap3A_1294, %swap3A_1295] {strides = array<i32>} : memref<4x128xf32, #tpu.memory_space<vmem>>, vector<1x16xf32>,
    %swap3A_1297 = vector.shape_cast %swap3A_1296 : vector<1x16xf32> to vector<16xf32>
    %swap3A_1298 = vector.shape_cast %exp3A_1292 : vector<16xf32> to vector<1x16xf32>
    tpu.vector_store %arg15[%swap3A_1294, %swap3A_1295], %swap3A_1298 {strides = array<i32>} : memref<4x128xf32, #tpu.memory_space<vmem>>, vector<1x16xf32>,
    %get3A_1299 = arith.constant 3 : i32
    %get3A_1300 = arith.index_cast %get3A_1299 : i32 to index
    %get3A_1301 = arith.constant 112 : index
    %get3A_1302 = tpu.vector_load %arg11[%get3A_1300, %get3A_1301] {strides = array<i32>} : memref<4x128xi32, #tpu.memory_space<vmem>>, vector<1x16xi32>,
    %get3A_1303 = vector.shape_cast %get3A_1302 : vector<1x16xi32> to vector<16xi32>
    %lt3A_1304 = arith.constant 0 : i32
    %lt3A_1305 = vector.broadcast %lt3A_1304 : i32 to vector<16xi32>
    %lt3A_1306 = arith.cmpi slt, %get3A_1303, %lt3A_1305 : vector<16xi32>
    %add3A_1307 = arith.constant 16 : i32
    %add3A_1308 = vector.broadcast %add3A_1307 : i32 to vector<16xi32>
    %add3A_1309 = arith.addi %get3A_1303, %add3A_1308 : vector<16xi32>
    %select_n3A_1310 = arith.select %lt3A_1306, %add3A_1309, %get3A_1303 : vector<16xi1>, vector<16xi32>
    %broadcast_in_dim3A_1311 = vector.shape_cast %select_n3A_1310 : vector<16xi32> to vector<16x1xi32>
    %gather3A_1312 = vector.shape_cast %broadcast_in_dim3A_1311 : vector<16x1xi32> to vector<16xi32>
    %gather3A_1313 = tpu.dynamic_gather %get3A_128[%gather3A_1312] in [0] : vector<16xf32>, vector<16xi32> -> vector<16xf32>
    %get3A_1314 = arith.constant 3 : i32
    %get3A_1315 = arith.index_cast %get3A_1314 : i32 to index
    %get3A_1316 = arith.constant 112 : index
    %get3A_1317 = tpu.vector_load %arg12[%get3A_1315, %get3A_1316] {strides = array<i32>} : memref<4x128xf32, #tpu.memory_space<vmem>>, vector<1x16xf32>,
    %get3A_1318 = vector.shape_cast %get3A_1317 : vector<1x16xf32> to vector<16xf32>
    %get3A_1319 = arith.constant 3 : i32
    %get3A_1320 = arith.index_cast %get3A_1319 : i32 to index
    %get3A_1321 = arith.constant 112 : index
    %get3A_1322 = tpu.vector_load %arg13[%get3A_1320, %get3A_1321] {strides = array<i32>} : memref<4x128xf32, #tpu.memory_space<vmem>>, vector<1x16xf32>,
    %get3A_1323 = vector.shape_cast %get3A_1322 : vector<1x16xf32> to vector<16xf32>
    %add3A_1324 = arith.addf %get3A_1318, %get3A_1323 : vector<16xf32>
    %add3A_1325 = arith.addf %add3A_1324, %gather3A_1313 : vector<16xf32>
    %exp3A_1326 = math.exp %add3A_1325 : vector<16xf32>
    %swap3A_1327 = arith.constant 3 : i32
    %swap3A_1328 = arith.index_cast %swap3A_1327 : i32 to index
    %swap3A_1329 = arith.constant 112 : index
    %swap3A_1330 = tpu.vector_load %arg15[%swap3A_1328, %swap3A_1329] {strides = array<i32>} : memref<4x128xf32, #tpu.memory_space<vmem>>, vector<1x16xf32>,
    %swap3A_1331 = vector.shape_cast %swap3A_1330 : vector<1x16xf32> to vector<16xf32>
    %swap3A_1332 = vector.shape_cast %exp3A_1326 : vector<16xf32> to vector<1x16xf32>
    tpu.vector_store %arg15[%swap3A_1328, %swap3A_1329], %swap3A_1332 {strides = array<i32>} : memref<4x128xf32, #tpu.memory_space<vmem>>, vector<1x16xf32>,
    %dma_start3A_1333 = arith.constant 3 : i32
    %dma_start3A_1334 = arith.constant 3 : i32
    %dma_start3A_1335 = arith.constant 0 : i32
    %dma_start3A_1336 = tpu.memref_slice %arg15[%dma_start3A_1333, %dma_start3A_1335] : memref<4x128xf32, #tpu.memory_space<vmem>> -> memref<1x128xf32, #tpu.memory_space<vmem>>
    %dma_start3A_1337 = tpu.memref_squeeze %dma_start3A_1336 : memref<1x128xf32, #tpu.memory_space<vmem>> -> memref<128xf32, #tpu.memory_space<vmem>>
    %dma_start3A_1338 = arith.constant 0 : i32
    %dma_start3A_1339 = tpu.memref_slice %arg8[%add3A, %dma_start3A_1334, %dma_start3A_1338] : memref<32x4x128xf32, #tpu.memory_space<hbm>> -> memref<1x1x128xf32, #tpu.memory_space<hbm>>
    %dma_start3A_1340 = tpu.memref_squeeze %dma_start3A_1339 : memref<1x1x128xf32, #tpu.memory_space<hbm>> -> memref<128xf32, #tpu.memory_space<hbm>>
    %dma_start3A_1341 = arith.constant 0 : i32
    %dma_start3A_1342 = tpu.memref_slice %arg8[%add3A, %dma_start3A_1334, %dma_start3A_1341] : memref<32x4x128xf32, #tpu.memory_space<hbm>> -> memref<1x1x128xf32, #tpu.memory_space<hbm>>
    %dma_start3A_1343 = tpu.memref_squeeze %dma_start3A_1342 : memref<1x1x128xf32, #tpu.memory_space<hbm>> -> memref<128xf32, #tpu.memory_space<hbm>>
    %dma_start3A_1344 = arith.constant 0 : i32
    %dma_start3A_1345 = tpu.memref_slice %arg15[%dma_start3A_1333, %dma_start3A_1344] : memref<4x128xf32, #tpu.memory_space<vmem>> -> memref<1x128xf32, #tpu.memory_space<vmem>>
    %dma_start3A_1346 = tpu.memref_squeeze %dma_start3A_1345 : memref<1x128xf32, #tpu.memory_space<vmem>> -> memref<128xf32, #tpu.memory_space<vmem>>
    tpu.enqueue_dma source(%dma_start3A_1346 : memref<128xf32, #tpu.memory_space<vmem>>) target(%dma_start3A_1343 : memref<128xf32, #tpu.memory_space<hbm>>) target_semaphore(%arg22 : memref<!tpu.dma_semaphore, #tpu.memory_space<semaphore_mem>>)
    %dma_wait3A_1347 = arith.constant 0 : i32
    %dma_wait3A_1348 = arith.constant 0 : i32
    %dma_wait3A_1349 = arith.constant 0 : i32
    %dma_wait3A_1350 = tpu.memref_slice %arg15[%dma_wait3A_1347, %dma_wait3A_1349] : memref<4x128xf32, #tpu.memory_space<vmem>> -> memref<1x128xf32, #tpu.memory_space<vmem>>
    %dma_wait3A_1351 = tpu.memref_squeeze %dma_wait3A_1350 : memref<1x128xf32, #tpu.memory_space<vmem>> -> memref<128xf32, #tpu.memory_space<vmem>>
    %dma_wait3A_1352 = arith.constant 0 : i32
    %dma_wait3A_1353 = tpu.memref_slice %arg8[%add3A, %dma_wait3A_1348, %dma_wait3A_1352] : memref<32x4x128xf32, #tpu.memory_space<hbm>> -> memref<1x1x128xf32, #tpu.memory_space<hbm>>
    %dma_wait3A_1354 = tpu.memref_squeeze %dma_wait3A_1353 : memref<1x1x128xf32, #tpu.memory_space<hbm>> -> memref<128xf32, #tpu.memory_space<hbm>>
    %dma_wait3A_1355 = arith.constant 0 : i32
    %dma_wait3A_1356 = tpu.memref_slice %arg8[%add3A, %dma_wait3A_1348, %dma_wait3A_1355] : memref<32x4x128xf32, #tpu.memory_space<hbm>> -> memref<1x1x128xf32, #tpu.memory_space<hbm>>
    %dma_wait3A_1357 = tpu.memref_squeeze %dma_wait3A_1356 : memref<1x1x128xf32, #tpu.memory_space<hbm>> -> memref<128xf32, #tpu.memory_space<hbm>>
    %dma_wait3A_1358 = arith.constant 0 : i32
    %dma_wait3A_1359 = tpu.memref_slice %arg15[%dma_wait3A_1347, %dma_wait3A_1358] : memref<4x128xf32, #tpu.memory_space<vmem>> -> memref<1x128xf32, #tpu.memory_space<vmem>>
    %dma_wait3A_1360 = tpu.memref_squeeze %dma_wait3A_1359 : memref<1x128xf32, #tpu.memory_space<vmem>> -> memref<128xf32, #tpu.memory_space<vmem>>
    tpu.wait_dma2 semaphore(%arg22 : memref<!tpu.dma_semaphore, #tpu.memory_space<semaphore_mem>>) src(%dma_wait3A_1360 : memref<128xf32, #tpu.memory_space<vmem>>) dst(%dma_wait3A_1357 : memref<128xf32, #tpu.memory_space<hbm>>)
    %dma_wait3A_1361 = arith.constant 1 : i32
    %dma_wait3A_1362 = arith.constant 1 : i32
    %dma_wait3A_1363 = arith.constant 0 : i32
    %dma_wait3A_1364 = tpu.memref_slice %arg15[%dma_wait3A_1361, %dma_wait3A_1363] : memref<4x128xf32, #tpu.memory_space<vmem>> -> memref<1x128xf32, #tpu.memory_space<vmem>>
    %dma_wait3A_1365 = tpu.memref_squeeze %dma_wait3A_1364 : memref<1x128xf32, #tpu.memory_space<vmem>> -> memref<128xf32, #tpu.memory_space<vmem>>
    %dma_wait3A_1366 = arith.constant 0 : i32
    %dma_wait3A_1367 = tpu.memref_slice %arg8[%add3A, %dma_wait3A_1362, %dma_wait3A_1366] : memref<32x4x128xf32, #tpu.memory_space<hbm>> -> memref<1x1x128xf32, #tpu.memory_space<hbm>>
    %dma_wait3A_1368 = tpu.memref_squeeze %dma_wait3A_1367 : memref<1x1x128xf32, #tpu.memory_space<hbm>> -> memref<128xf32, #tpu.memory_space<hbm>>
    %dma_wait3A_1369 = arith.constant 0 : i32
    %dma_wait3A_1370 = tpu.memref_slice %arg8[%add3A, %dma_wait3A_1362, %dma_wait3A_1369] : memref<32x4x128xf32, #tpu.memory_space<hbm>> -> memref<1x1x128xf32, #tpu.memory_space<hbm>>
    %dma_wait3A_1371 = tpu.memref_squeeze %dma_wait3A_1370 : memref<1x1x128xf32, #tpu.memory_space<hbm>> -> memref<128xf32, #tpu.memory_space<hbm>>
    %dma_wait3A_1372 = arith.constant 0 : i32
    %dma_wait3A_1373 = tpu.memref_slice %arg15[%dma_wait3A_1361, %dma_wait3A_1372] : memref<4x128xf32, #tpu.memory_space<vmem>> -> memref<1x128xf32, #tpu.memory_space<vmem>>
    %dma_wait3A_1374 = tpu.memref_squeeze %dma_wait3A_1373 : memref<1x128xf32, #tpu.memory_space<vmem>> -> memref<128xf32, #tpu.memory_space<vmem>>
    tpu.wait_dma2 semaphore(%arg22 : memref<!tpu.dma_semaphore, #tpu.memory_space<semaphore_mem>>) src(%dma_wait3A_1374 : memref<128xf32, #tpu.memory_space<vmem>>) dst(%dma_wait3A_1371 : memref<128xf32, #tpu.memory_space<hbm>>)
    %dma_wait3A_1375 = arith.constant 2 : i32
    %dma_wait3A_1376 = arith.constant 2 : i32
    %dma_wait3A_1377 = arith.constant 0 : i32
    %dma_wait3A_1378 = tpu.memref_slice %arg15[%dma_wait3A_1375, %dma_wait3A_1377] : memref<4x128xf32, #tpu.memory_space<vmem>> -> memref<1x128xf32, #tpu.memory_space<vmem>>
    %dma_wait3A_1379 = tpu.memref_squeeze %dma_wait3A_1378 : memref<1x128xf32, #tpu.memory_space<vmem>> -> memref<128xf32, #tpu.memory_space<vmem>>
    %dma_wait3A_1380 = arith.constant 0 : i32
    %dma_wait3A_1381 = tpu.memref_slice %arg8[%add3A, %dma_wait3A_1376, %dma_wait3A_1380] : memref<32x4x128xf32, #tpu.memory_space<hbm>> -> memref<1x1x128xf32, #tpu.memory_space<hbm>>
    %dma_wait3A_1382 = tpu.memref_squeeze %dma_wait3A_1381 : memref<1x1x128xf32, #tpu.memory_space<hbm>> -> memref<128xf32, #tpu.memory_space<hbm>>
    %dma_wait3A_1383 = arith.constant 0 : i32
    %dma_wait3A_1384 = tpu.memref_slice %arg8[%add3A, %dma_wait3A_1376, %dma_wait3A_1383] : memref<32x4x128xf32, #tpu.memory_space<hbm>> -> memref<1x1x128xf32, #tpu.memory_space<hbm>>
    %dma_wait3A_1385 = tpu.memref_squeeze %dma_wait3A_1384 : memref<1x1x128xf32, #tpu.memory_space<hbm>> -> memref<128xf32, #tpu.memory_space<hbm>>
    %dma_wait3A_1386 = arith.constant 0 : i32
    %dma_wait3A_1387 = tpu.memref_slice %arg15[%dma_wait3A_1375, %dma_wait3A_1386] : memref<4x128xf32, #tpu.memory_space<vmem>> -> memref<1x128xf32, #tpu.memory_space<vmem>>
    %dma_wait3A_1388 = tpu.memref_squeeze %dma_wait3A_1387 : memref<1x128xf32, #tpu.memory_space<vmem>> -> memref<128xf32, #tpu.memory_space<vmem>>
    tpu.wait_dma2 semaphore(%arg22 : memref<!tpu.dma_semaphore, #tpu.memory_space<semaphore_mem>>) src(%dma_wait3A_1388 : memref<128xf32, #tpu.memory_space<vmem>>) dst(%dma_wait3A_1385 : memref<128xf32, #tpu.memory_space<hbm>>)
    %dma_wait3A_1389 = arith.constant 3 : i32
    %dma_wait3A_1390 = arith.constant 3 : i32
    %dma_wait3A_1391 = arith.constant 0 : i32
    %dma_wait3A_1392 = tpu.memref_slice %arg15[%dma_wait3A_1389, %dma_wait3A_1391] : memref<4x128xf32, #tpu.memory_space<vmem>> -> memref<1x128xf32, #tpu.memory_space<vmem>>
    %dma_wait3A_1393 = tpu.memref_squeeze %dma_wait3A_1392 : memref<1x128xf32, #tpu.memory_space<vmem>> -> memref<128xf32, #tpu.memory_space<vmem>>
    %dma_wait3A_1394 = arith.constant 0 : i32
    %dma_wait3A_1395 = tpu.memref_slice %arg8[%add3A, %dma_wait3A_1390, %dma_wait3A_1394] : memref<32x4x128xf32, #tpu.memory_space<hbm>> -> memref<1x1x128xf32, #tpu.memory_space<hbm>>
    %dma_wait3A_1396 = tpu.memref_squeeze %dma_wait3A_1395 : memref<1x1x128xf32, #tpu.memory_space<hbm>> -> memref<128xf32, #tpu.memory_space<hbm>>
    %dma_wait3A_1397 = arith.constant 0 : i32
    %dma_wait3A_1398 = tpu.memref_slice %arg8[%add3A, %dma_wait3A_1390, %dma_wait3A_1397] : memref<32x4x128xf32, #tpu.memory_space<hbm>> -> memref<1x1x128xf32, #tpu.memory_space<hbm>>
    %dma_wait3A_1399 = tpu.memref_squeeze %dma_wait3A_1398 : memref<1x1x128xf32, #tpu.memory_space<hbm>> -> memref<128xf32, #tpu.memory_space<hbm>>
    %dma_wait3A_1400 = arith.constant 0 : i32
    %dma_wait3A_1401 = tpu.memref_slice %arg15[%dma_wait3A_1389, %dma_wait3A_1400] : memref<4x128xf32, #tpu.memory_space<vmem>> -> memref<1x128xf32, #tpu.memory_space<vmem>>
    %dma_wait3A_1402 = tpu.memref_squeeze %dma_wait3A_1401 : memref<1x128xf32, #tpu.memory_space<vmem>> -> memref<128xf32, #tpu.memory_space<vmem>>
    tpu.wait_dma2 semaphore(%arg22 : memref<!tpu.dma_semaphore, #tpu.memory_space<semaphore_mem>>) src(%dma_wait3A_1402 : memref<128xf32, #tpu.memory_space<vmem>>) dst(%dma_wait3A_1399 : memref<128xf32, #tpu.memory_space<hbm>>)
    return
  }
}

</mosaic_0001>

<sc_bundles>
// kernel: kernel.3.cloned.1.call-start
scs
__scs_entry_jumppad:
0x0: {  	(pc) =	sbr.rel $0x88, $3  }
0x1: {  	(tag) =	ssettag $0x0;
	lr =	simm.s32 $0x1  }
0x2: {  	[smem:$0x3F9B] =	sst lr;
	_ =	strace $0xD0000000  }
0x3: {  	_ = 	snop  }
0x4: {  	_ = 	snop  }
0x5: {  	_ = 	snop  }
0x6: {  	_ = 	snop  }
0x7: {  	_ = 	snop  }
__scs_overlays_trampoline_lowered:
0x8: {  	[smem:$0x3FAA] =	sst s0  }
0x9: {  	[smem:$0x3FAB] =	sst s1  }
0xa: {  	[smem:$0x3FAC] =	sst s2  }
0xb: {  	[smem:$0x3FAD] =	sst s3  }
0xc: {  	[smem:$0x3FAE] =	sst s4  }
0xd: {  	[smem:$0x3FAF] =	sst s5  }
0xe: {  	[smem:$0x3FB0] =	sst s6  }
0xf: {  	[smem:$0x3FB1] =	sst s7  }
0x10: {  	[smem:$0x3FB2] =	sst s8  }
0x11: {  	[smem:$0x3FB3] =	sst s9;
	s0 =	simm.s32 @!p0 $0x0  }
0x12: {  	s1 =	sld [smem:$0x3F99];
	s0 =	simm.s32 @p0 $0x1  }
0x13: {  	[smem:$0x3FB4] =	sst s0;
	s0 =	simm.s32 @!p1 $0x0  }
0x14: {  	s2 =	sld [smem:$0x3F98];
	s0 =	simm.s32 @p1 $0x1  }
0x15: {  	[smem:$0x3FB5] =	sst s0;
	s0 =	simm.s32 @!p2 $0x0  }
0x16: {  	s3 =	sld [smem:$0x3FDB];
	s0 =	simm.s32 @p2 $0x1  }
0x17: {  	s4 =	simm.s32 $0x1BF5;
	[smem:$0x3FB7] =	sst s0  }
0x18: {  	s0 =	sld [smem:$0x3F9A];
	_ =	swait.ge [sflag:s4], $0x0  }
0x19: {  	s7 =	sld [smem:$0x3F9B]  }
0x1a: {  	s8 =	sadd.s32 $0xFFFFE003, lr  }
0x1b: {  	s9 =	sadd.s32 $0xFFFFFEF7, lr;
	s5 =	simm.s32 $0xFFFFFFFF;
	p2 =	slt.u32 s8, $0xFFFFF086  }
0x1c: {  	p1 =	slt.u32 s9, $0xF7A;
	s5 =	simm.s32 @!p2 $0x0  }
0x1d: {  	s5 =	simm.s32 @p1 $0x1;
	p0 =	seq.s32 s7, s2  }
0x1e: {  	s7 =	smul.u32 @!p0 $0xF7A, s2;
	p2 =	seq.s32 @!p0 s5, $0x0  }
0x1f: {  	s9 =	smul.u32 $0xF7A, s1;
	s8 =	simm.s32 @!p0 $0x1BF5;
	p2 =	por !p2, p0  }
0x20: {  	[sflag:s8] =	ssyncset.s32 @!p0 $0xFFFFF086;
	s6 =	sadd.s32 @!p0 s3, s7;
	s7 =	simm.s32 @!p0 $0x108  }
0x21: {  	s3 =	sadd.s32 s3, s9;
	s6 =	sadd.s32 @!p0 $0x88, s6;
	s7 =	simm.s32 @p2 $0x1082  }
0x22: {  	[simem:s7], [sflag:s8] =	dma.local @!p0 [hbm:s6], $0xF7A  }
0x23: {  	s9 =	sor.u32 $0xD0000000, s2;
	s6 =	simm.s32 $0x108;
	_ =	swait.ge @!p0 [sflag:s8], $0x0  }
0x24: {  	s3 =	sadd.s32 $0x88, s3;
	s6 =	simm.s32 @!p1 $0x1082;
	[sflag:s4] =	ssyncset.s32 $0xFFFFF086  }
0x25: {  	[simem:s6], [sflag:s4] =	dma.local [hbm:s3], $0xF7A  }
0x26: {  	[smem:$0x3F9B] =	sst s1;
	(tag) =	ssettag s2;
	_ =	strace s9  }
0x27: {  	s1 =	sld [smem:$0x3FAB]  }
0x28: {  	s2 =	sld [smem:$0x3FAC]  }
0x29: {  	s4 =	sld [smem:$0x3FAE]  }
0x2a: {  	p0 =	seq.s32 s5, $0x0;
	s5 =	sld [smem:$0x3FAF]  }
0x2b: {  	s6 =	sld [smem:$0x3FB0]  }
0x2c: {  	s7 =	sld [smem:$0x3FB1]  }
0x2d: {  	s3 =	simm.s32 $0x108;
	s8 =	sld [smem:$0x3FB2]  }
0x2e: {  	s3 =	simm.s32 @!p0 $0x1082;
	s9 =	sld [smem:$0x3FB3]  }
0x2f: {  	lr =	sadd.s32 s0, s3;
	s0 =	sld [smem:$0x3FAA]  }
0x30: {  	s3 =	sld [smem:$0x3FAD]  }
0x31: {  	[smem:$0x3FB6] =	sst s10  }
0x32: {  	s10 =	sld [smem:$0x3FB4];
	_ =	sdelay $0x3  }
0x33: {  	p0 =	seq.s32 s10, $0x1;
	s10 =	sld [smem:$0x3FB6];
	_ =	sdelay $0x3  }
0x34: {  	[smem:$0x3FB6] =	sst s10  }
0x35: {  	s10 =	sld [smem:$0x3FB5];
	_ =	sdelay $0x3  }
0x36: {  	p1 =	seq.s32 s10, $0x1;
	s10 =	sld [smem:$0x3FB6];
	_ =	sdelay $0x3  }
0x37: {  	[smem:$0x3FB6] =	sst s10  }
0x38: {  	s10 =	sld [smem:$0x3FB7]  }
0x39: {  	_ = 	snop;
	(pc) =	sbr.ind lr, $3  }
0x3a: {  	_ = 	snop  }
0x3b: {  	_ = 	snop  }
0x3c: {  	p2 =	seq.s32 s10, $0x1;
	s10 =	sld [smem:$0x3FB6]  }
0x3d: {  	_ =	shalt  }
0x3e: {  	_ =	shalt  }
0x3f: {  	_ =	shalt  }
0x40: {  	_ =	shalt  }
0x41: {  	_ =	shalt  }
0x42: {  	_ =	shalt  }
0x43: {  	_ =	shalt  }
0x44: {  	_ =	shalt  }
0x45: {  	_ =	shalt  }
0x46: {  	_ =	shalt  }
0x47: {  	_ =	shalt  }
0x48: {  	_ =	shalt  }
0x49: {  	_ =	shalt  }
0x4a: {  	_ =	shalt  }
0x4b: {  	_ =	shalt  }
0x4c: {  	_ =	shalt  }
0x4d: {  	_ =	shalt  }
0x4e: {  	_ =	shalt  }
0x4f: {  	_ =	shalt  }
0x50: {  	_ =	shalt  }
0x51: {  	_ =	shalt  }
0x52: {  	_ =	shalt  }
0x53: {  	_ =	shalt  }
0x54: {  	_ =	shalt  }
0x55: {  	_ =	shalt  }
0x56: {  	_ =	shalt  }
0x57: {  	_ =	shalt  }
0x58: {  	_ =	shalt  }
0x59: {  	_ =	shalt  }
0x5a: {  	_ =	shalt  }
0x5b: {  	_ =	shalt  }
0x5c: {  	_ =	shalt  }
0x5d: {  	_ =	shalt  }
0x5e: {  	_ =	shalt  }
0x5f: {  	_ =	shalt  }
0x60: {  	_ =	shalt  }
0x61: {  	_ =	shalt  }
0x62: {  	_ =	shalt  }
0x63: {  	_ =	shalt  }
0x64: {  	_ =	shalt  }
0x65: {  	_ =	shalt  }
0x66: {  	_ =	shalt  }
0x67: {  	_ =	shalt  }
0x68: {  	_ =	shalt  }
0x69: {  	_ =	shalt  }
0x6a: {  	_ =	shalt  }
0x6b: {  	_ =	shalt  }
0x6c: {  	_ =	shalt  }
0x6d: {  	_ =	shalt  }
0x6e: {  	_ =	shalt  }
0x6f: {  	_ =	shalt  }
0x70: {  	_ =	shalt  }
0x71: {  	_ =	shalt  }
0x72: {  	_ =	shalt  }
0x73: {  	_ =	shalt  }
0x74: {  	_ =	shalt  }
0x75: {  	_ =	shalt  }
0x76: {  	_ =	shalt  }
0x77: {  	_ =	shalt  }
0x78: {  	_ =	shalt  }
0x79: {  	_ =	shalt  }
0x7a: {  	_ =	shalt  }
0x7b: {  	_ =	shalt  }
0x7c: {  	_ =	shalt  }
0x7d: {  	_ =	shalt  }
0x7e: {  	_ =	shalt  }
0x7f: {  	_ =	shalt  }
0x80: {  	_ =	shalt  }
0x81: {  	_ =	shalt  }
0x82: {  	_ =	shalt  }
0x83: {  	_ =	shalt  }
0x84: {  	_ =	shalt  }
0x85: {  	_ =	shalt  }
0x86: {  	_ =	shalt  }
0x87: {  	_ =	shalt  }
.Lfunc_end0:
.L_simem_size_0:
called_computation_lowered:
.L_overlay_start_0:
0x88: {  	s2 =	sld [smem:$0x3FD9]  }
0x89: {  	s3 =	sld [smem:$0x3FFE];
	_ =	sdelay $0x1  }
0x8a: {  	s1 =	srdreg.scid  }
0x8b: {  	s0 =	sand.u32 $0x1, s1  }
0x8c: {  	s17 =	sshll.u32 s0, $0xA;
	s2 =	sadd.s32 s3, s2  }
0x8d: {  	s2 =	sadd.s32 s2, s17  }
0x8e: {  	[smem:$0x3FC2] =	sst s2  }
0x8f: {  	_ = 	snop  }
0x90: {  	s2 =	sld [smem:$0x3FC9]  }
0x91: {  	s18 =	sld [smem:$0x3FC8]  }
0x92: {  	s4 =	sld [smem:$0x3FC7]  }
0x93: {  	s5 =	sld [smem:$0x3FC6]  }
0x94: {  	s6 =	sld [smem:$0x3FC5]  }
0x95: {  	s7 =	sld [smem:$0x3FD0];
	(tm) =	ssettm $0x1  }
0x96: {  	s8 =	sld [smem:$0x3FFB];
	_ =	sdelay $0x3  }
0x97: {  	_ =	strace s8  }
0x98: {  	s8 =	sld [smem:$0x3FFC];
	_ =	sdelay $0x3  }
0x99: {  	_ =	strace s8  }
0x9a: {  	s8 =	sld [smem:$0x3FFD];
	_ =	sdelay $0x3  }
0x9b: {  	_ =	strace s8  }
0x9c: {  	_ =	strace $0x8FFFFFFF  }
0x9d: {  	s19 =	sld [smem:$0x3FDB];
	_ =	sdelay $0x1  }
0x9e: {  	s9 =	simm.s32 $_scs_section_size  }
0x9f: {  	s10 =	simm.s32 $_size__tile_overlayer_lowered;
	s11 =	simm.s32 $_tile_overlayer_lowered  }
0xa0: {  	s22 =	simm.s32 $0x1BFF;
	s21 =	sshll.u32 s11, $0x1;
	s8 =	sadd.s32 s9, s19  }
0xa1: {  	s12 =	simm.s32 $0x0;
	s20 =	sshll.u32 s10, $0x1;
	s10 =	sadd.s32 s21, s8  }
0xa2: {  	[timem:s12], [sflag:s22] =	dma.local [hbm:s10], s20  }
0xa3: {  	_ =	swait.ge [sflag:s22], s20  }
0xa4: {  	s9 =	ssub.s32 $0x0, s20;
	[sflag:s22] =	ssyncset.done $0x0  }
0xa5: {  	[sflag:s22] =	ssyncadd.s32 s9;
	_ =	sdelay $0x1  }
0xa6: {  	s23 =	simm.s32 $0x1B8B  }
0xa7: {  	_ =	swait.ge [sflag:s23], $0x1  }
0xa8: {  	[sflag:s23] =	ssyncset.done $0x0  }
0xa9: {  	s25 =	simm.s32 $0x1B8E;
	s24 =	sld [smem:$0x3FFE];
	[sflag:s23] =	ssyncadd.s32 $0xFFFFFFFF  }
0xaa: {  	s26 =	simm.s32 $execute0_lowered;
	[smem:$0x3FD2] =	sst s25  }
0xab: {  	s10 =	sshll.u32 s26, $0x1;
	_ =	strace $0x80000046;
	[dreg:$0x1] =	wrdreg $0xFFFFFFFF  }
0xac: {  	s28 =	simm.s32 $_size_execute0_lowered;
	s8 =	sadd.s32 s8, s10;
	[dreg:$0x0] =	wrdreg $0x0  }
0xad: {  	s10 =	sshll.u32 s28, $0x1;
	[dreg:$0x2] =	wrdreg s8  }
0xae: {  	[dreg:$0x3] =	wrdreg s10  }
0xaf: {  	[dreg:$0x4] =	wrdreg $0xC0  }
0xb0: {  	_ =	task [dreg:s12], $0x5FFFF  }
0xb1: {  	[dreg:$0x1] =	wrdreg $0xFFFFFFFF  }
0xb2: {  	[dreg:$0x0] =	wrdreg $0x60  }
0xb3: {  	[dreg:$0x2] =	wrdreg s2  }
0xb4: {  	[dreg:$0x3] =	wrdreg s18  }
0xb5: {  	[dreg:$0x4] =	wrdreg s4  }
0xb6: {  	[dreg:$0x5] =	wrdreg s5  }
0xb7: {  	[dreg:$0x6] =	wrdreg s6  }
0xb8: {  	[dreg:$0x7] =	wrdreg s24  }
0xb9: {  	[dreg:$0x8] =	wrdreg s7  }
0xba: {  	[dreg:$0x9] =	wrdreg $0x9  }
0xbb: {  	_ =	task.clear_ibuf [dreg:s12], $0xAFFFF;
	_ =	strace $0x90000046  }
0xbc: {  	s29 =	simm.s32 $0x9;
	_ =	strace $0x80000048  }
0xbd: {  	_ =	swait.ge [sflag:s29], $0x1  }
0xbe: {  	[sflag:s29] =	ssyncadd.s32 $0xFFFFFFFF  }
0xbf: {  	_ =	strace $0x90000048  }
0xc0: {  	_ =	sfence  }
0xc1: {  	s30 =	sld [smem:$0x0];
	_ =	sdelay $0x2  }
0xc2: {  	s31 =	sshll.u32 s1, $0xD;
	s1 =	sshrl.u32 s1, $0x2  }
0xc3: {  	s3 =	sand.u32 $0x4000, s31;
	s1 =	sadd.s32 s1, s30  }
0xc4: {  	s0 =	sor.u32 s3, s0;
	s1 =	sshll.u32 s1, $0x11  }
0xc5: {  	s0 =	sor.u32 s1, s0  }
0xc6: {  	s0 =	sadd.s32 $0x8F2B, s0  }
0xc7: {  	[sflag:s0] =	ssyncadd.remote.s32 $0x1  }
0xc8: {  	_ =	sfence.sel $0xFFFF  }
0xc9: {  	[dreg:$0x0] =	wrdreg $0xFFFFFFFF;
	(pc) =	sbr.abs _section_cstart, $3  }
0xca: {  	[dreg:$0x1] =	wrdreg $0xFFFFFFFF  }
0xcb: {  	_ =	task.clear_ibuf [dreg:s12], $0x2FFFF;
	_ =	strace $0x9FFFFFFF  }
0xcc: {  	(tm) =	ssettm $0x7FFFFFFF  }
0xcd: {  	_ =	shalt  }
tec
execute0_lowered:
.L_overlay_start_1:
0x0: {  	(tag) =	ssettag $0x1  }
0x1: {  	s0 =	rddreg [dreg:$0x0]  }
0x2: {  	s5 =	rddreg [dreg:$0x1]  }
0x3: {  	s6 =	rddreg [dreg:$0x2]  }
0x4: {  	s1 =	rddreg [dreg:$0x3]  }
0x5: {  	s2 =	rddreg [dreg:$0x4]  }
0x6: {  	s7 =	rddreg [dreg:$0x5]  }
0x7: {  	s8 =	rddreg [dreg:$0x6];
	s9 =	srdreg.scid;
	s4 =	simm.s32 $0x0  }
0x8: {  	s3 =	stileid.u32;
	s24 =	simm.s32 $0x400;
	s25 =	simm.s32 $0xA00  }
0x9: {  	s26 =	simm.s32 $0x600;
	s13 =	simm.s32 $0x880;
	s14 =	simm.s32 $0x100  }
0xa: {  	s15 =	simm.s32 $0x700;
	s16 =	simm.s32 $0x300;
	s28 =	simm.s32 $0x5  }
0xb: {  	s29 =	simm.s32 $0xB80;
	s30 =	simm.s32 $0x6;
	s31 =	simm.s32 $0xC00  }
0xc: {  	s9 =	sand.u32 $0x1, s9;
	[smem:$0x7FF] =	sst s4;
	s7 =	sadd.s32 $0x400, s7  }
0xd: {  	s10 =	sshll.u32 s3, $0x7;
	_ =	strace $0x80000047;
	[dreg:$0x8] =	wrdreg s7  }
0xe: {  	s11 =	sshll.u32 s9, $0x6;
	s19 =	ssub.s32 $0x2, s9;
	[dreg:$0xf] =	wrdreg s24  }
0xf: {  	s7 =	simm.s32 $0x200;
	[dreg:$0x10] =	wrdreg s25;
	s9 =	simm.s32 $0x80  }
0x10: {  	[dreg:$0x11] =	wrdreg s26;
	s24 =	simm.s32 $0xA80;
	s25 =	simm.s32 $0x4  }
0x11: {  	s26 =	simm.s32 $0xB00;
	s10 =	sor.u32 s11, s10;
	s21 =	sshrl.u32 s19, $0x1  }
0x12: {  	s0 =	sadd.s32 s0, s10;
	s17 =	sadd.s32 s5, s10;
	s18 =	sadd.s32 s6, s10  }
0x13: {  	s5 =	sadd.s32 s8, s10;
	s6 =	ssub.s32 s19, s21;
	[dreg:$0x9] =	wrdreg s0  }
0x14: {  	s8 =	simm.s32 $0x1;
	s19 =	simm.s32 $0x780;
	[dreg:$0xa] =	wrdreg s17  }
0x15: {  	s21 =	simm.s32 $0x980;
	[dreg:$0xb] =	wrdreg s18;
	s20 =	sadd.s32 $0x10, s5  }
0x16: {  	s22 =	sadd.s32 $0x20, s5;
	s23 =	sadd.s32 $0x30, s5;
	[dreg:$0xc] =	wrdreg s20  }
0x17: {  	s6 =	smax.u32 s6, $0x1;
	s17 =	simm.s32 $0x900;
	[dreg:$0xd] =	wrdreg s22  }
0x18: {  	s18 =	simm.s32 $0x180;
	s0 =	simm.s32 $0x7;
	[dreg:$0xe] =	wrdreg s23  }
0x19: {  	s20 =	simm.s32 $0x380;
	s22 =	simm.s32 $0x2;
	s23 =	simm.s32 $0x3  }
.LBB2_1:
0x1a: {  	s3 =	rddreg [dreg:$0x9]  }
0x1b: {  	s10 =	rddreg [dreg:$0xa]  }
0x1c: {  	s11 =	rddreg [dreg:$0x8]  }
0x1d: {  	[tilespmem:s4], [sflag:$0x1] =	stream.linear.gather [hbm4b:s3+s4], $0x200, $0x38;
	[tilespmem:$0xC80] =	vst v63  }
0x1e: {  	s3 =	rddreg [dreg:$0xb]  }
0x1f: {  	[tilespmem:s7], [sflag:$0x1] =	stream.linear.gather [hbm4b:s10+s4], $0x200, $0x38;
	[tilespmem:$0xC80] =	vst v63  }
0x20: {  	s10 =	rddreg [dreg:$0xf]  }
0x21: {  	[tilespmem:s10], [sflag:$0x2] =	stream.linear.gather [hbm4b:s3+s4], $0x200, $0x38;
	[tilespmem:$0xC80] =	vst v63  }
0x22: {  	s12 =	rddreg [dreg:$0x10]  }
0x23: {  	[tilespmem:s12], [sflag:$0x2] =	stream.linear.gather [hbm4b:s11+s4], $0x80, $0x38;
	[tilespmem:$0xC80] =	vst v63  }
0x24: {  	_ =	swait.ge [sflag:s8], $0x200  }
0x25: {  	[sflag:s8] =	ssyncset.done $0x0  }
0x26: {  	[sflag:s8] =	ssyncadd.s32 $0xFFFFFE00  }
0x27: {  	_ =	swait.ge [sflag:s8], $0x200  }
0x28: {  	[sflag:s8] =	ssyncset.done $0x0  }
0x29: {  	s12 =	rddreg [dreg:$0x11];
	[sflag:s8] =	ssyncadd.s32 $0xFFFFFE00  }
0x2a: {  	[tilespmem:s12], [sflag:$0x3] =	stream.indirect.gather [hbm4b:s1+s9], $0x1, s4, s9, $0xb8;
	[tilespmem:$0xC80] =	vst v63  }
0x2b: {  	s10 =	simm.s32 $0x800  }
0x2c: {  	[tilespmem:s10], [sflag:$0x3] =	stream.indirect.gather [hbm4b:s2+s9], $0x1, s7, s9, $0xb8;
	[tilespmem:$0xC80] =	vst v63  }
0x2d: {  	s11 =	simm.s32 $0x680  }
0x2e: {  	[tilespmem:s11], [sflag:$0x4] =	stream.indirect.gather [hbm4b:s1+s9], $0x1, s9, s9, $0xb8;
	[tilespmem:$0xC80] =	vst v63  }
0x2f: {  	s12 =	simm.s32 $0x280  }
0x30: {  	[tilespmem:s13], [sflag:$0x4] =	stream.indirect.gather [hbm4b:s2+s9], $0x1, s12, s9, $0xb8;
	[tilespmem:$0xC80] =	vst v63  }
0x31: {  	_ = 	snop  }
0x32: {  	[tilespmem:s15], [sflag:$0x5] =	stream.indirect.gather [hbm4b:s1+s9], $0x1, s14, s9, $0xb8;
	[tilespmem:$0xC80] =	vst v63  }
0x33: {  	_ = 	snop  }
0x34: {  	[tilespmem:s17], [sflag:$0x5] =	stream.indirect.gather [hbm4b:s2+s9], $0x1, s16, s9, $0xb8;
	[tilespmem:$0xC80] =	vst v63  }
0x35: {  	_ = 	snop  }
0x36: {  	[tilespmem:s19], [sflag:$0x6] =	stream.indirect.gather [hbm4b:s1+s9], $0x1, s18, s9, $0xb8;
	[tilespmem:$0xC80] =	vst v63  }
0x37: {  	_ = 	snop  }
0x38: {  	[tilespmem:s21], [sflag:$0x6] =	stream.indirect.gather [hbm4b:s2+s9], $0x1, s20, s9, $0xb8;
	[tilespmem:$0xC80] =	vst v63  }
0x39: {  	_ =	swait.ge [sflag:s22], $0x200  }
0x3a: {  	[sflag:s22] =	ssyncset.done $0x0  }
0x3b: {  	[sflag:s22] =	ssyncadd.s32 $0xFFFFFE00  }
0x3c: {  	_ =	swait.ge [sflag:s22], $0x80  }
0x3d: {  	[sflag:s22] =	ssyncset.done $0x0  }
0x3e: {  	[sflag:s22] =	ssyncadd.s32 $0xFFFFFF80  }
0x3f: {  	v0 =	vld [tilespmem:$0xA00];
	_ =	swait.ge [sflag:s23], $0x80  }
0x40: {  	[sflag:s23] =	ssyncset.done $0x0  }
0x41: {  	[sflag:s23] =	ssyncadd.s32 $0xFFFFFF80  }
0x42: {  	_ =	swait.ge [sflag:s23], $0x80  }
0x43: {  	[sflag:s23] =	ssyncset.done $0x0  }
0x44: {  	[sflag:s23] =	ssyncadd.s32 $0xFFFFFF80  }
0x45: {  	v1 =	vld [tilespmem:$0x400]  }
0x46: {  	v2 =	vld [tilespmem:$0x600]  }
0x47: {  	v3 =	vld [tilespmem:$0x800]  }
0x48: {  	v4 =	vld [tilespmem:$0x410]  }
0x49: {  	v5 =	vld [tilespmem:$0x610]  }
0x4a: {  	v6 =	vld [tilespmem:$0x810]  }
0x4b: {  	v7 =	vld [tilespmem:$0x420]  }
0x4c: {  	v8 =	vld [tilespmem:$0x620]  }
0x4d: {  	v9 =	vld [tilespmem:$0x820]  }
0x4e: {  	v10 =	vld [tilespmem:$0x430]  }
0x4f: {  	v11 =	vld [tilespmem:$0x630]  }
0x50: {  	v12 =	vld [tilespmem:$0x830]  }
0x51: {  	v13 =	vld [tilespmem:$0x440]  }
0x52: {  	v14 =	vld [tilespmem:$0x640]  }
0x53: {  	v15 =	vld [tilespmem:$0x840]  }
0x54: {  	v16 =	vld [tilespmem:$0x450]  }
0x55: {  	v17 =	vld [tilespmem:$0x650]  }
0x56: {  	v55 =	vld [tilespmem:$0x850]  }
0x57: {  	v56 =	vld [tilespmem:$0x460]  }
0x58: {  	v59 =	vld [tilespmem:$0x470];
	v1 =	vperm.xlane v0, v1  }
0x59: {  	v57 =	vld [tilespmem:$0x660];
	v2 =	vadd.f32 v3, v2;
	v4 =	vperm.xlane v0, v4;
	v5 =	vadd.f32 v6, v5  }
0x5a: {  	v58 =	vld [tilespmem:$0x860];
	v7 =	vperm.xlane v0, v7;
	v8 =	vadd.f32 v9, v8;
	v10 =	vperm.xlane v0, v10  }
0x5b: {  	v60 =	vld [tilespmem:$0x670];
	v11 =	vadd.f32 v12, v11;
	v18 =	vperm.xlane v0, v13;
	v19 =	vadd.f32 v15, v14  }
0x5c: {  	v62 =	vld [tilespmem:$0x870];
	v20 =	vperm.xlane v0, v16;
	v3 =	vadd.f32 v55, v17;
	v1 =	vadd.f32 v2, v1  }
0x5d: {  	v6 =	vperm.xlane v0, v56;
	v21 =	vperm.xlane v0, v59;
	v4 =	vadd.f32 v5, v4  }
0x5e: {  	v61 =	vadd.f32 v8, v7;
	v63 =	vadd.f32 v11, v10;
	v1 =	vmul.f32 $1.442695020e+00, v1  }
0x5f: {  	v8 =	vadd.f32 v19, v18;
	v2 =	vadd.f32 v58, v57;
	v4 =	vmul.f32 $1.442695020e+00, v4  }
0x60: {  	v3 =	vadd.f32 v3, v20;
	(erf) = vpow2.f32 v1;
	v1 =	vmul.f32 $1.442695020e+00, v61  }
0x61: {  	v7 =	vadd.f32 v62, v60;
	(erf) = vpow2.f32 v4;
	v4 =	vmul.f32 $1.442695020e+00, v63  }
0x62: {  	v22 =	vmul.f32 $1.442695020e+00, v8;
	v2 =	vadd.f32 v2, v6;
	(erf) = vpow2.f32 v1  }
0x63: {  	v3 =	vmul.f32 $1.442695020e+00, v3;
	v23 =	vadd.f32 v7, v21;
	(erf) = vpow2.f32 v4  }
0x64: {  	v24 =	vmul.f32 $1.442695020e+00, v2;
	(erf) = vpow2.f32 v22  }
0x65: {  	v25 =	vmul.f32 $1.442695020e+00, v23;
	(erf) = vpow2.f32 v3  }
0x66: {  	(erf) = vpow2.f32 v24  }
0x67: {  	(erf) = vpow2.f32 v25;
	_ =	sdelay $0x1  }
0x68: {  	v26 =	vpop (erf)  }
0x69: {  	[tilespmem:$0xA80] =	vst v26;
	v27 =	vpop (erf)  }
0x6a: {  	[tilespmem:$0xA90] =	vst v27;
	v28 =	vpop (erf)  }
0x6b: {  	[tilespmem:$0xAA0] =	vst v28;
	v29 =	vpop (erf)  }
0x6c: {  	[tilespmem:$0xAB0] =	vst v29;
	v30 =	vpop (erf)  }
0x6d: {  	[tilespmem:$0xAC0] =	vst v30;
	v31 =	vpop (erf)  }
0x6e: {  	[tilespmem:$0xAD0] =	vst v31;
	v32 =	vpop (erf)  }
0x6f: {  	[tilespmem:$0xAE0] =	vst v32;
	v33 =	vpop (erf)  }
0x70: {  	[tilespmem:$0xAF0] =	vst v33  }
0x71: {  	[hbm4b:s5+s4] =	stream.linear.scatter [tilespmem:s24], [sflag:$0x7], $0x80, $0x38;
	[tilespmem:$0xC80] =	vst v63  }
0x72: {  	_ =	swait.ge [sflag:s25], $0x80  }
0x73: {  	[sflag:s25] =	ssyncset.done $0x0  }
0x74: {  	[sflag:s25] =	ssyncadd.s32 $0xFFFFFF80  }
0x75: {  	_ =	swait.ge [sflag:s25], $0x80  }
0x76: {  	[sflag:s25] =	ssyncset.done $0x0  }
0x77: {  	[sflag:s25] =	ssyncadd.s32 $0xFFFFFF80  }
0x78: {  	v34 =	vld [tilespmem:$0x480]  }
0x79: {  	v35 =	vld [tilespmem:$0x680]  }
0x7a: {  	v36 =	vld [tilespmem:$0x880]  }
0x7b: {  	v37 =	vld [tilespmem:$0x490]  }
0x7c: {  	v38 =	vld [tilespmem:$0x690]  }
0x7d: {  	v39 =	vld [tilespmem:$0x890]  }
0x7e: {  	v40 =	vld [tilespmem:$0x4A0]  }
0x7f: {  	v41 =	vld [tilespmem:$0x6A0]  }
0x80: {  	v42 =	vld [tilespmem:$0x8A0]  }
0x81: {  	v43 =	vld [tilespmem:$0x4B0]  }
0x82: {  	v44 =	vld [tilespmem:$0x6B0]  }
0x83: {  	v45 =	vld [tilespmem:$0x8B0]  }
0x84: {  	v46 =	vld [tilespmem:$0x4C0]  }
0x85: {  	v47 =	vld [tilespmem:$0x6C0]  }
0x86: {  	v48 =	vld [tilespmem:$0x8C0]  }
0x87: {  	v49 =	vld [tilespmem:$0x4D0]  }
0x88: {  	v50 =	vld [tilespmem:$0x6D0]  }
0x89: {  	v51 =	vld [tilespmem:$0x8D0]  }
0x8a: {  	v52 =	vld [tilespmem:$0x4E0]  }
0x8b: {  	v55 =	vld [tilespmem:$0x4F0];
	v1 =	vperm.xlane v0, v34  }
0x8c: {  	v53 =	vld [tilespmem:$0x6E0];
	v2 =	vadd.f32 v36, v35;
	v4 =	vperm.xlane v0, v37;
	v5 =	vadd.f32 v39, v38  }
0x8d: {  	v54 =	vld [tilespmem:$0x8E0];
	v7 =	vperm.xlane v0, v40;
	v8 =	vadd.f32 v42, v41;
	v10 =	vperm.xlane v0, v43  }
0x8e: {  	v56 =	vld [tilespmem:$0x6F0];
	v11 =	vadd.f32 v45, v44;
	v60 =	vperm.xlane v0, v46;
	v61 =	vadd.f32 v48, v47  }
0x8f: {  	v58 =	vld [tilespmem:$0x8F0];
	v62 =	vperm.xlane v0, v49;
	v3 =	vadd.f32 v51, v50;
	v1 =	vadd.f32 v2, v1  }
0x90: {  	v6 =	vperm.xlane v0, v52;
	v63 =	vperm.xlane v0, v55;
	v4 =	vadd.f32 v5, v4  }
0x91: {  	v57 =	vadd.f32 v8, v7;
	v59 =	vadd.f32 v11, v10;
	v1 =	vmul.f32 $1.442695020e+00, v1  }
0x92: {  	v8 =	vadd.f32 v61, v60;
	v2 =	vadd.f32 v54, v53;
	v4 =	vmul.f32 $1.442695020e+00, v4  }
0x93: {  	v3 =	vadd.f32 v3, v62;
	(erf) = vpow2.f32 v1;
	v1 =	vmul.f32 $1.442695020e+00, v57  }
0x94: {  	v7 =	vadd.f32 v58, v56;
	(erf) = vpow2.f32 v4;
	v4 =	vmul.f32 $1.442695020e+00, v59  }
0x95: {  	v8 =	vmul.f32 $1.442695020e+00, v8;
	v2 =	vadd.f32 v2, v6;
	(erf) = vpow2.f32 v1  }
0x96: {  	v3 =	vmul.f32 $1.442695020e+00, v3;
	v9 =	vadd.f32 v7, v63;
	(erf) = vpow2.f32 v4  }
0x97: {  	v10 =	vmul.f32 $1.442695020e+00, v2;
	(erf) = vpow2.f32 v8  }
0x98: {  	v11 =	vmul.f32 $1.442695020e+00, v9;
	(erf) = vpow2.f32 v3  }
0x99: {  	(erf) = vpow2.f32 v10  }
0x9a: {  	(erf) = vpow2.f32 v11;
	_ =	sdelay $0x1  }
0x9b: {  	v12 =	vpop (erf)  }
0x9c: {  	[tilespmem:$0xB00] =	vst v12;
	v13 =	vpop (erf)  }
0x9d: {  	[tilespmem:$0xB10] =	vst v13;
	v14 =	vpop (erf)  }
0x9e: {  	[tilespmem:$0xB20] =	vst v14;
	v15 =	vpop (erf)  }
0x9f: {  	[tilespmem:$0xB30] =	vst v15;
	v16 =	vpop (erf)  }
0xa0: {  	[tilespmem:$0xB40] =	vst v16;
	v17 =	vpop (erf)  }
0xa1: {  	[tilespmem:$0xB50] =	vst v17;
	v18 =	vpop (erf)  }
0xa2: {  	[tilespmem:$0xB60] =	vst v18;
	v19 =	vpop (erf)  }
0xa3: {  	s10 =	rddreg [dreg:$0xc];
	[tilespmem:$0xB70] =	vst v19  }
0xa4: {  	[hbm4b:s10+s4] =	stream.linear.scatter [tilespmem:s26], [sflag:$0x7], $0x80, $0x38;
	[tilespmem:$0xC80] =	vst v63  }
0xa5: {  	_ =	swait.ge [sflag:s28], $0x80  }
0xa6: {  	[sflag:s28] =	ssyncset.done $0x0  }
0xa7: {  	[sflag:s28] =	ssyncadd.s32 $0xFFFFFF80  }
0xa8: {  	_ =	swait.ge [sflag:s28], $0x80  }
0xa9: {  	[sflag:s28] =	ssyncset.done $0x0  }
0xaa: {  	[sflag:s28] =	ssyncadd.s32 $0xFFFFFF80  }
0xab: {  	v20 =	vld [tilespmem:$0x500]  }
0xac: {  	v21 =	vld [tilespmem:$0x700]  }
0xad: {  	v22 =	vld [tilespmem:$0x900]  }
0xae: {  	v23 =	vld [tilespmem:$0x510]  }
0xaf: {  	v24 =	vld [tilespmem:$0x710]  }
0xb0: {  	v25 =	vld [tilespmem:$0x910]  }
0xb1: {  	v26 =	vld [tilespmem:$0x520]  }
0xb2: {  	v27 =	vld [tilespmem:$0x720]  }
0xb3: {  	v28 =	vld [tilespmem:$0x920]  }
0xb4: {  	v29 =	vld [tilespmem:$0x530]  }
0xb5: {  	v30 =	vld [tilespmem:$0x730]  }
0xb6: {  	v31 =	vld [tilespmem:$0x930]  }
0xb7: {  	v32 =	vld [tilespmem:$0x540]  }
0xb8: {  	v33 =	vld [tilespmem:$0x740]  }
0xb9: {  	v34 =	vld [tilespmem:$0x940]  }
0xba: {  	v35 =	vld [tilespmem:$0x550]  }
0xbb: {  	v36 =	vld [tilespmem:$0x750]  }
0xbc: {  	v37 =	vld [tilespmem:$0x950]  }
0xbd: {  	v38 =	vld [tilespmem:$0x560]  }
0xbe: {  	v41 =	vld [tilespmem:$0x570];
	v1 =	vperm.xlane v0, v20  }
0xbf: {  	v39 =	vld [tilespmem:$0x760];
	v2 =	vadd.f32 v22, v21;
	v4 =	vperm.xlane v0, v23;
	v5 =	vadd.f32 v25, v24  }
0xc0: {  	v40 =	vld [tilespmem:$0x960];
	v7 =	vperm.xlane v0, v26;
	v8 =	vadd.f32 v28, v27;
	v10 =	vperm.xlane v0, v29  }
0xc1: {  	v42 =	vld [tilespmem:$0x770];
	v11 =	vadd.f32 v31, v30;
	v46 =	vperm.xlane v0, v32;
	v47 =	vadd.f32 v34, v33  }
0xc2: {  	v44 =	vld [tilespmem:$0x970];
	v48 =	vperm.xlane v0, v35;
	v3 =	vadd.f32 v37, v36;
	v1 =	vadd.f32 v2, v1  }
0xc3: {  	v6 =	vperm.xlane v0, v38;
	v49 =	vperm.xlane v0, v41;
	v4 =	vadd.f32 v5, v4  }
0xc4: {  	v43 =	vadd.f32 v8, v7;
	v45 =	vadd.f32 v11, v10;
	v1 =	vmul.f32 $1.442695020e+00, v1  }
0xc5: {  	v8 =	vadd.f32 v47, v46;
	v2 =	vadd.f32 v40, v39;
	v4 =	vmul.f32 $1.442695020e+00, v4  }
0xc6: {  	v3 =	vadd.f32 v3, v48;
	(erf) = vpow2.f32 v1;
	v1 =	vmul.f32 $1.442695020e+00, v43  }
0xc7: {  	v7 =	vadd.f32 v44, v42;
	(erf) = vpow2.f32 v4;
	v4 =	vmul.f32 $1.442695020e+00, v45  }
0xc8: {  	v50 =	vmul.f32 $1.442695020e+00, v8;
	v2 =	vadd.f32 v2, v6;
	(erf) = vpow2.f32 v1  }
0xc9: {  	v3 =	vmul.f32 $1.442695020e+00, v3;
	v51 =	vadd.f32 v7, v49;
	(erf) = vpow2.f32 v4  }
0xca: {  	v52 =	vmul.f32 $1.442695020e+00, v2;
	(erf) = vpow2.f32 v50  }
0xcb: {  	v53 =	vmul.f32 $1.442695020e+00, v51;
	(erf) = vpow2.f32 v3  }
0xcc: {  	(erf) = vpow2.f32 v52  }
0xcd: {  	(erf) = vpow2.f32 v53;
	_ =	sdelay $0x1  }
0xce: {  	v54 =	vpop (erf)  }
0xcf: {  	[tilespmem:$0xB80] =	vst v54;
	v55 =	vpop (erf)  }
0xd0: {  	[tilespmem:$0xB90] =	vst v55;
	v56 =	vpop (erf)  }
0xd1: {  	[tilespmem:$0xBA0] =	vst v56;
	v57 =	vpop (erf)  }
0xd2: {  	[tilespmem:$0xBB0] =	vst v57;
	v58 =	vpop (erf)  }
0xd3: {  	[tilespmem:$0xBC0] =	vst v58;
	v59 =	vpop (erf)  }
0xd4: {  	[tilespmem:$0xBD0] =	vst v59;
	v60 =	vpop (erf)  }
0xd5: {  	[tilespmem:$0xBE0] =	vst v60;
	v61 =	vpop (erf)  }
0xd6: {  	s11 =	rddreg [dreg:$0xd];
	[tilespmem:$0xBF0] =	vst v61  }
0xd7: {  	[hbm4b:s11+s4] =	stream.linear.scatter [tilespmem:s29], [sflag:$0x7], $0x80, $0x38;
	[tilespmem:$0xC80] =	vst v63  }
0xd8: {  	_ =	swait.ge [sflag:s30], $0x80  }
0xd9: {  	[sflag:s30] =	ssyncset.done $0x0  }
0xda: {  	[sflag:s30] =	ssyncadd.s32 $0xFFFFFF80  }
0xdb: {  	_ =	swait.ge [sflag:s30], $0x80  }
0xdc: {  	[sflag:s30] =	ssyncset.done $0x0  }
0xdd: {  	[sflag:s30] =	ssyncadd.s32 $0xFFFFFF80  }
0xde: {  	v62 =	vld [tilespmem:$0x580]  }
0xdf: {  	v63 =	vld [tilespmem:$0x780]  }
0xe0: {  	v21 =	vld [tilespmem:$0x980]  }
0xe1: {  	v22 =	vld [tilespmem:$0x590]  }
0xe2: {  	v23 =	vld [tilespmem:$0x790]  }
0xe3: {  	v24 =	vld [tilespmem:$0x990]  }
0xe4: {  	v25 =	vld [tilespmem:$0x5A0]  }
0xe5: {  	v26 =	vld [tilespmem:$0x7A0]  }
0xe6: {  	v27 =	vld [tilespmem:$0x9A0]  }
0xe7: {  	v28 =	vld [tilespmem:$0x5B0]  }
0xe8: {  	v29 =	vld [tilespmem:$0x7B0]  }
0xe9: {  	v30 =	vld [tilespmem:$0x9B0]  }
0xea: {  	v31 =	vld [tilespmem:$0x5C0]  }
0xeb: {  	v32 =	vld [tilespmem:$0x7C0]  }
0xec: {  	v33 =	vld [tilespmem:$0x9C0]  }
0xed: {  	v34 =	vld [tilespmem:$0x5D0]  }
0xee: {  	v35 =	vld [tilespmem:$0x7D0]  }
0xef: {  	v18 =	vld [tilespmem:$0x9D0]  }
0xf0: {  	v38 =	vld [tilespmem:$0x5E0]  }
0xf1: {  	v39 =	vld [tilespmem:$0x7E0]  }
0xf2: {  	v41 =	vld [tilespmem:$0x9E0]  }
0xf3: {  	v43 =	vld [tilespmem:$0x5F0];
	v1 =	vperm.xlane v0, v62  }
0xf4: {  	v45 =	vld [tilespmem:$0x7F0];
	v2 =	vadd.f32 v21, v63;
	v36 =	vperm.xlane v0, v22;
	v37 =	vadd.f32 v24, v23  }
0xf5: {  	v47 =	vld [tilespmem:$0x9F0];
	v42 =	vadd.f32 v27, v26;
	v44 =	vadd.f32 v30, v29;
	v7 =	vperm.xlane v0, v25  }
0xf6: {  	v10 =	vperm.xlane v0, v28;
	v46 =	vadd.f32 v33, v32;
	v48 =	vadd.f32 v18, v35  }
0xf7: {  	v13 =	vperm.xlane v0, v31;
	v16 =	vperm.xlane v0, v34;
	v1 =	vadd.f32 v2, v1  }
0xf8: {  	v3 =	vadd.f32 v41, v39;
	v5 =	vperm.xlane v0, v38;
	v40 =	vadd.f32 v37, v36  }
0xf9: {  	v0 =	vperm.xlane v0, v43;
	v49 =	vadd.f32 v42, v7;
	v1 =	vmul.f32 $1.442695020e+00, v1  }
0xfa: {  	v53 =	vadd.f32 v47, v45;
	v50 =	vadd.f32 v44, v10;
	v2 =	vmul.f32 $1.442695020e+00, v40  }
0xfb: {  	v51 =	vadd.f32 v46, v13;
	(erf) = vpow2.f32 v1;
	v1 =	vmul.f32 $1.442695020e+00, v49  }
0xfc: {  	v52 =	vadd.f32 v48, v16;
	v4 =	vmul.f32 $1.442695020e+00, v50;
	(erf) = vpow2.f32 v2  }
0xfd: {  	v54 =	vadd.f32 v3, v5;
	v2 =	vmul.f32 $1.442695020e+00, v51;
	(erf) = vpow2.f32 v1  }
0xfe: {  	v0 =	vadd.f32 v53, v0;
	v55 =	vmul.f32 $1.442695020e+00, v52;
	(erf) = vpow2.f32 v4  }
0xff: {  	v1 =	vmul.f32 $1.442695020e+00, v54;
	(erf) = vpow2.f32 v2  }
0x100: {  	v0 =	vmul.f32 $1.442695020e+00, v0;
	(erf) = vpow2.f32 v55  }
0x101: {  	(erf) = vpow2.f32 v1  }
0x102: {  	(erf) = vpow2.f32 v0;
	_ =	sdelay $0x1  }
0x103: {  	v56 =	vpop (erf)  }
0x104: {  	v57 =	vpop (erf);
	[tilespmem:$0xC00] =	vst v56  }
0x105: {  	v58 =	vpop (erf);
	[tilespmem:$0xC10] =	vst v57  }
0x106: {  	v59 =	vpop (erf);
	[tilespmem:$0xC20] =	vst v58  }
0x107: {  	v60 =	vpop (erf);
	[tilespmem:$0xC30] =	vst v59  }
0x108: {  	v61 =	vpop (erf);
	[tilespmem:$0xC40] =	vst v60  }
0x109: {  	v62 =	vpop (erf);
	[tilespmem:$0xC50] =	vst v61  }
0x10a: {  	[tilespmem:$0xC60] =	vst v62;
	v63 =	vpop (erf)  }
0x10b: {  	s12 =	rddreg [dreg:$0xe];
	[tilespmem:$0xC70] =	vst v63  }
0x10c: {  	[hbm4b:s12+s4] =	stream.linear.scatter [tilespmem:s31], [sflag:$0x7], $0x80, $0x38;
	[tilespmem:$0xC80] =	vst v63  }
0x10d: {  	_ =	swait.ge [sflag:s0], $0x80  }
0x10e: {  	[sflag:s0] =	ssyncset.done $0x0  }
0x10f: {  	[sflag:s0] =	ssyncadd.s32 $0xFFFFFF80  }
0x110: {  	_ =	swait.ge [sflag:s0], $0x80  }
0x111: {  	[sflag:s0] =	ssyncset.done $0x0  }
0x112: {  	[sflag:s0] =	ssyncadd.s32 $0xFFFFFF80  }
0x113: {  	p0 =	sne.s32 s6, $0x1;
	_ =	swait.ge [sflag:s0], $0x80  }
.Ltmp0:
0x114: {  	[sflag:s0] =	ssyncset.done $0x0;
	(pc) =	sbr.rel @p0 .LBB2_1-.Ltmp0, $4  }
0x115: {  	[sflag:s0] =	ssyncadd.s32 $0xFFFFFF80  }
0x116: {  	_ =	swait.ge [sflag:s0], $0x80  }
0x117: {  	[sflag:s0] =	ssyncset.done $0x0  }
0x118: {  	s6 =	sadd.s32 $0xFFFFFFFF, s6;
	[sflag:s0] =	ssyncadd.s32 $0xFFFFFF80  }
0x119: {  	_ =	sfence.sel $0x180000  }
0x11a: {  	[bflag:$0x0] =	sbarrier.arrive $0xFFFF  }
0x11b: {  	_ =	strace $0x90000047  }
0x11c: {  	s0 =	stileid.u32;
	[bflag:$0x2] =	sbarrier.arrive $0xFFFF  }
0x11d: {  	p0 =	sne.s32 s0, $0x0;
	s0 =	rddreg [dreg:$0x7]  }
0x11e: {  	s0 =	sadd.s32 @!p0 $0x100000, s0  }
0x11f: {  	[sflag:s0] =	ssyncadd.tile.s32 @!p0 $0x1;
	_ =	shalt  }
.Lfunc_end2:
_tile_overlayer_lowered:
.L_overlay_start_2:
0x120: {  	(tag) =	ssettag $0x2  }
0x121: {  	s0 =	rddreg [dreg:$0x0];
	s2 =	stileid.u32  }
0x122: {  	s1 =	rddreg [dreg:$0x1];
	p0 =	sne.s32 s2, $0x0  }
0x123: {  	s3 =	rddreg [dreg:$0x2];
	[bflag:$0x3] =	sbarrier.arrive $0xFFFF;
	s2 =	simm.s32 @!p0 $0x1C08  }
0x124: {  	[timem:s3], [sflag:s2] =	dma.local @!p0 [hbm:s0], s1  }
0x125: {  	s0 =	simm.s32 @!p0 $0x8  }
0x126: {  	_ =	swait.ge @!p0 [sflag:s0], s1  }
0x127: {  	s1 =	ssub.s32 @!p0 $0x0, s1;
	[sflag:s0] =	ssyncset.done @!p0 $0x0  }
0x128: {  	[sflag:s0] =	ssyncadd.s32 @!p0 s1  }
0x129: {  	[bflag:$0x3] =	sbarrier.arrive $0xFFFF  }
0x12a: {  	_ =	shalt  }

</sc_bundles>
